<compile_context>
chip_gen: v7x
topology: tpu7x:2x2x1
jax: 0.10.2.dev20260603
libtpu: 0.0.44.dev20260713+nightly
codegen_flags: <defaults>
</compile_context>

<pallas_src>
import jax
import jax.numpy as jnp
from jax import lax
from jax.experimental import pallas as pl
from jax.experimental.pallas import tpu as pltpu
from jax.experimental.pallas import tpu_sc as plsc

_ROUTES = 8
_WIN = 256


def _build_sc_gather(B, H, W, C, RW):
    info = plsc.get_sparse_core_info()
    NC, NS = info.num_cores, info.num_subcores
    NW = NC * NS
    assert B % NW == 0, (B, NW)
    BPW = B // NW
    NS_H = 4
    HH = H // NS_H
    NU = BPW * NS_H
    def c_window(r):
        return lax.shift_left(lax.shift_right_logical(r * RW, 7), 7)

    mesh = plsc.VectorSubcoreMesh(core_axis_name="c", subcore_axis_name="s")

    def body(table_hbm, logits_hbm, out_hbm, logits_v, wide, outb, rsem, wsem):
        wid = lax.axis_index("s") * NC + lax.axis_index("c")
        b0 = wid * BPW
        lbase = pl.multiple_of(
            lax.shift_left(lax.shift_right_logical(b0 * 16, 7), 7), 128)
        off = b0 * 16 - lbase
        pltpu.sync_copy(logits_hbm.at[pl.ds(lbase, 128)], logits_v)

        def route_of(u):
            v = logits_v[pl.ds(off + lax.shift_right_logical(u, 2) * 16, 16)]
            best_v = v[0]
            best_i = jnp.int32(0)
            for t in range(1, _ROUTES):
                x = v[t]
                take = x > best_v
                best_i = jnp.where(take, jnp.int32(t), best_i)
                best_v = jnp.where(take, x, best_v)
            return best_i

        def start_read(u):
            r = route_of(u)
            cs = pl.multiple_of(c_window(r), 128)
            a = r * RW - cs
            b = b0 + lax.shift_right_logical(u, 2)
            s = lax.bitwise_and(u, 3)
            h0 = s * HH

            @pl.when(a <= 32)
            def _():
                pltpu.make_async_copy(
                    table_hbm.at[b, pl.ds(h0, HH), :, pl.ds(cs, 128)],
                    wide.at[s, :, :, pl.ds(0, 128)], rsem.at[s]).start()

            @pl.when(a > 32)
            def _():
                pltpu.make_async_copy(
                    table_hbm.at[b, pl.ds(h0, HH), :, pl.ds(cs, _WIN)],
                    wide.at[s], rsem.at[s]).start()

        def unit(u, _):
            s = lax.bitwise_and(u, 3)
            b = b0 + lax.shift_right_logical(u, 2)
            h0 = s * HH
            dst_hbm = out_hbm.at[b, pl.ds(h0, HH)]
            r = route_of(u)
            a = pl.multiple_of(r * RW - pl.multiple_of(c_window(r), 128), 16)

            @pl.when(a <= 32)
            def _():
                pltpu.make_async_copy(
                    table_hbm.at[b, pl.ds(h0, HH), :, pl.ds(0, 128)],
                    wide.at[s, :, :, pl.ds(0, 128)], rsem.at[s]).wait()

            @pl.when(a > 32)
            def _():
                pltpu.make_async_copy(
                    table_hbm.at[b, pl.ds(h0, HH), :, pl.ds(0, _WIN)],
                    wide.at[s], rsem.at[s]).wait()
            src = wide.at[s]
            dst = outb.at[s]

            @pl.when(u + 3 < NU)
            def _():
                @pl.when(u >= 1)
                def _():
                    sp = lax.bitwise_and(u - 1, 3)
                    pltpu.make_async_copy(
                        outb.at[sp], out_hbm.at[b0, pl.ds(0, HH)],
                        wsem.at[sp]).wait()
                start_read(u + 3)

            @plsc.parallel_loop(0, HH * W, step=1, unroll=2)
            def _row(i):
                h = lax.shift_right_logical(i, 4)
                w = lax.bitwise_and(i, W - 1)
                for k in range(RW // 16):
                    dst[h, w, pl.ds(16 * k, 16)] = (
                        src[h, w, pl.ds(a + 16 * k, 16)])

            pltpu.make_async_copy(dst, dst_hbm, wsem.at[s]).start()
            return 0

        start_read(0)
        start_read(1)
        start_read(2)
        lax.fori_loop(0, NU, unit, 0)
        for un in range(NU - 4, NU):
            s = un & 3
            pltpu.make_async_copy(
                outb.at[s], out_hbm.at[b0, pl.ds(0, HH)], wsem.at[s]).wait()

    return pl.kernel(
        body,
        out_type=jax.ShapeDtypeStruct((B, H, W, RW), jnp.float32),
        mesh=mesh,
        compiler_params=pltpu.CompilerParams(use_tc_tiling_on_sc=True),
        scratch_types=[
            pltpu.VMEM((128,), jnp.float32),
            pltpu.VMEM((4, HH, W, _WIN), jnp.float32),
            pltpu.VMEM((4, HH, W, RW), jnp.float32),
            pltpu.SemaphoreType.DMA((4,)),
            pltpu.SemaphoreType.DMA((4,)),
        ],
    )


def kernel(inputs, routing_inputs):
    B, H, W, C = inputs.shape
    RW = C // _ROUTES
    logits = jnp.concatenate(
        [routing_inputs,
         jnp.full((B, 16 - _ROUTES), -jnp.inf, jnp.float32)], axis=1
    ).reshape(-1)
    return _build_sc_gather(B, H, W, C, RW)(inputs, logits)

# --- scband reference (transcript-rebuilt; emitter-appended) ---
"""Pipeline reference for scband-routing-mask-layer-51453708206705 (READ-ONLY COPY).

The authoritative reference and input builder live on the scoring server;
editing this copy changes nothing except your own understanding.
"""

import jax, jax.numpy as jnp
import numpy as np

ROUTES = 8

def setup_inputs(seed: int = 0) -> dict:
    key = jax.random.key(seed)
    k1, k2 = jax.random.split(key)
    inputs = jax.random.normal(k1, (128, 16, 16, 768), dtype=jnp.float32)
    routing_inputs = jax.random.normal(k2, (128, ROUTES), dtype=jnp.float32)
    return {"inputs": inputs, "routing_inputs": routing_inputs}

def reference(inputs, routing_inputs):
    # Faithful translation of RoutingMaskLayer.__call__ with gumbel=False.
    # route_width = C / routes
    C = inputs.shape[-1]
    route_width = C // ROUTES
    # route = argmax over routing logits -> one-hot -> repeat over channels
    route = jnp.argmax(routing_inputs, axis=-1)  # [B]
    # Boolean-masking a [B, C, H, W] tensor with a [B, C] mask that selects a
    # contiguous block of route_width channels per batch element, then reshaping
    # back, is exactly a per-batch gather of channels [r*rw : (r+1)*rw].
    start = route * route_width  # [B]
    idx = start[:, None] + jnp.arange(route_width)[None, :]  # [B, route_width]
    # gather along channel axis (last axis, NHWC)
    out = jnp.take_along_axis(inputs, idx[:, None, None, :], axis=3)  # [B, H, W, route_width]
    return out

if __name__ == "__main__":
    import jax
    _d = setup_inputs()
    print(jax.jit(kernel)(*tuple(_d.values())))

</pallas_src>

<mosaic_0001>
#map = affine_map<(d0, d1) -> (0, 0, 0, 0)>
#map1 = affine_map<(d0, d1) -> (0)>
module attributes {stable_mosaic.version = 14 : i64} {
  func.func @body(%arg0: i32, %arg1: i32, %arg2: memref<128x16x16x768xf32, #tpu.memory_space<hbm>>, %arg3: memref<2048xf32, #tpu.memory_space<hbm>>, %arg4: memref<128x16x16x96xf32, #tpu.memory_space<hbm>>, %arg5: memref<128xf32, #tpu.memory_space<vmem>>, %arg6: memref<4x4x16x256xf32, #tpu.memory_space<vmem>>, %arg7: memref<4x4x16x96xf32, #tpu.memory_space<vmem>>, %arg8: memref<4x!tpu.dma_semaphore, #tpu.memory_space<semaphore_mem>>, %arg9: memref<4x!tpu.dma_semaphore, #tpu.memory_space<semaphore_mem>>) attributes {dimension_semantics = [#tpu.dimension_semantics<core_parallel>, #tpu.dimension_semantics<subcore_parallel>], iteration_bounds = array<i64: 2, 16>, scalar_prefetch = 0 : i64, scratch_operands = 5 : i64, tpu.core_type = #tpu.core_type<sc_vector_subcore>, window_params = [{transform_indices = #map}, {transform_indices = #map1}, {transform_indices = #map}]} {
    %mul3A = arith.constant 2 : i32
    %mul3A_0 = arith.muli %arg1, %mul3A : i32
    %add3A = arith.addi %mul3A_0, %arg0 : i32
    %mul3A_1 = arith.constant 4 : i32
    %mul3A_2 = arith.muli %add3A, %mul3A_1 : i32
    %mul3A_3 = arith.constant 16 : i32
    %mul3A_4 = arith.muli %mul3A_2, %mul3A_3 : i32
    %shift_right_logical3A = arith.constant 7 : i32
    %shift_right_logical3A_5 = arith.shrui %mul3A_4, %shift_right_logical3A : i32
    %shift_left3A = arith.constant 7 : i32
    %shift_left3A_6 = arith.shli %shift_right_logical3A_5, %shift_left3A : i32
    %multiple_of3A = tpu.assume_multiple %shift_left3A_6, 128 : i32
    %mul3A_7 = arith.constant 16 : i32
    %mul3A_8 = arith.muli %mul3A_2, %mul3A_7 : i32
    %sub3A = arith.subi %mul3A_8, %multiple_of3A : i32
    "tpu.region"() ({
      %run_scoped3A = tpu.sem_alloc : memref<!tpu.dma_semaphore, #tpu.memory_space<semaphore_mem>>
      %dma_start3A = tpu.memref_slice %arg3[%multiple_of3A] : memref<2048xf32, #tpu.memory_space<hbm>> -> memref<128xf32, #tpu.memory_space<hbm>>
      %dma_start3A_349 = tpu.memref_slice %arg3[%multiple_of3A] : memref<2048xf32, #tpu.memory_space<hbm>> -> memref<128xf32, #tpu.memory_space<hbm>>
      tpu.enqueue_dma source(%dma_start3A_349 : memref<128xf32, #tpu.memory_space<hbm>>) target(%arg5 : memref<128xf32, #tpu.memory_space<vmem>>) target_semaphore(%run_scoped3A : memref<!tpu.dma_semaphore, #tpu.memory_space<semaphore_mem>>)
      %dma_wait3A_350 = tpu.memref_slice %arg3[%multiple_of3A] : memref<2048xf32, #tpu.memory_space<hbm>> -> memref<128xf32, #tpu.memory_space<hbm>>
      %dma_wait3A_351 = tpu.memref_slice %arg3[%multiple_of3A] : memref<2048xf32, #tpu.memory_space<hbm>> -> memref<128xf32, #tpu.memory_space<hbm>>
      tpu.wait_dma2 semaphore(%run_scoped3A : memref<!tpu.dma_semaphore, #tpu.memory_space<semaphore_mem>>) src(%dma_wait3A_351 : memref<128xf32, #tpu.memory_space<hbm>>) dst(%arg5 : memref<128xf32, #tpu.memory_space<vmem>>)
      tpu.yield
    }) : () -> ()
    %shift_right_logical3A_9 = arith.constant 0 : i32
    %shift_right_logical3A_10 = arith.constant 2 : i32
    %shift_right_logical3A_11 = arith.shrui %shift_right_logical3A_9, %shift_right_logical3A_10 : i32
    %mul3A_12 = arith.constant 16 : i32
    %mul3A_13 = arith.muli %shift_right_logical3A_11, %mul3A_12 : i32
    %add3A_14 = arith.addi %sub3A, %mul3A_13 : i32
    %get3A = arith.index_cast %add3A_14 : i32 to index
    %get3A_15 = tpu.vector_load %arg5[%get3A] {strides = array<i32>} : memref<128xf32, #tpu.memory_space<vmem>>, vector<16xf32>,
    %get3A_16 = vector.shape_cast %get3A_15 : vector<16xf32> to vector<16xf32>
    %slice3A = vector.extract_strided_slice %get3A_16 {offsets = [0], sizes = [1], strides = [1]} : vector<16xf32> to vector<1xf32>
    %squeeze3A = vector.extract %slice3A[0] : f32 from vector<1xf32>
    %slice3A_17 = vector.extract_strided_slice %get3A_16 {offsets = [1], sizes = [1], strides = [1]} : vector<16xf32> to vector<1xf32>
    %squeeze3A_18 = vector.extract %slice3A_17[0] : f32 from vector<1xf32>
    %gt3A = arith.cmpf ogt, %squeeze3A_18, %squeeze3A : f32
    %jit3A = arith.constant 1 : i32
    %jit3A_19 = arith.constant 0 : i32
    %select_n3A = arith.select %gt3A, %jit3A, %jit3A_19 : i32
    %select_n3A_20 = arith.select %gt3A, %squeeze3A_18, %squeeze3A : f32
    %slice3A_21 = vector.extract_strided_slice %get3A_16 {offsets = [2], sizes = [1], strides = [1]} : vector<16xf32> to vector<1xf32>
    %squeeze3A_22 = vector.extract %slice3A_21[0] : f32 from vector<1xf32>
    %gt3A_23 = arith.cmpf ogt, %squeeze3A_22, %select_n3A_20 : f32
    %jit3A_24 = arith.constant 2 : i32
    %select_n3A_25 = arith.select %gt3A_23, %jit3A_24, %select_n3A : i32
    %select_n3A_26 = arith.select %gt3A_23, %squeeze3A_22, %select_n3A_20 : f32
    %slice3A_27 = vector.extract_strided_slice %get3A_16 {offsets = [3], sizes = [1], strides = [1]} : vector<16xf32> to vector<1xf32>
    %squeeze3A_28 = vector.extract %slice3A_27[0] : f32 from vector<1xf32>
    %gt3A_29 = arith.cmpf ogt, %squeeze3A_28, %select_n3A_26 : f32
    %jit3A_30 = arith.constant 3 : i32
    %select_n3A_31 = arith.select %gt3A_29, %jit3A_30, %select_n3A_25 : i32
    %select_n3A_32 = arith.select %gt3A_29, %squeeze3A_28, %select_n3A_26 : f32
    %slice3A_33 = vector.extract_strided_slice %get3A_16 {offsets = [4], sizes = [1], strides = [1]} : vector<16xf32> to vector<1xf32>
    %squeeze3A_34 = vector.extract %slice3A_33[0] : f32 from vector<1xf32>
    %gt3A_35 = arith.cmpf ogt, %squeeze3A_34, %select_n3A_32 : f32
    %jit3A_36 = arith.constant 4 : i32
    %select_n3A_37 = arith.select %gt3A_35, %jit3A_36, %select_n3A_31 : i32
    %select_n3A_38 = arith.select %gt3A_35, %squeeze3A_34, %select_n3A_32 : f32
    %slice3A_39 = vector.extract_strided_slice %get3A_16 {offsets = [5], sizes = [1], strides = [1]} : vector<16xf32> to vector<1xf32>
    %squeeze3A_40 = vector.extract %slice3A_39[0] : f32 from vector<1xf32>
    %gt3A_41 = arith.cmpf ogt, %squeeze3A_40, %select_n3A_38 : f32
    %jit3A_42 = arith.constant 5 : i32
    %select_n3A_43 = arith.select %gt3A_41, %jit3A_42, %select_n3A_37 : i32
    %select_n3A_44 = arith.select %gt3A_41, %squeeze3A_40, %select_n3A_38 : f32
    %slice3A_45 = vector.extract_strided_slice %get3A_16 {offsets = [6], sizes = [1], strides = [1]} : vector<16xf32> to vector<1xf32>
    %squeeze3A_46 = vector.extract %slice3A_45[0] : f32 from vector<1xf32>
    %gt3A_47 = arith.cmpf ogt, %squeeze3A_46, %select_n3A_44 : f32
    %jit3A_48 = arith.constant 6 : i32
    %select_n3A_49 = arith.select %gt3A_47, %jit3A_48, %select_n3A_43 : i32
    %select_n3A_50 = arith.select %gt3A_47, %squeeze3A_46, %select_n3A_44 : f32
    %slice3A_51 = vector.extract_strided_slice %get3A_16 {offsets = [7], sizes = [1], strides = [1]} : vector<16xf32> to vector<1xf32>
    %squeeze3A_52 = vector.extract %slice3A_51[0] : f32 from vector<1xf32>
    %gt3A_53 = arith.cmpf ogt, %squeeze3A_52, %select_n3A_50 : f32
    %jit3A_54 = arith.constant 7 : i32
    %select_n3A_55 = arith.select %gt3A_53, %jit3A_54, %select_n3A_49 : i32
    %select_n3A_56 = arith.select %gt3A_53, %squeeze3A_52, %select_n3A_50 : f32
    %mul3A_57 = arith.constant 96 : i32
    %mul3A_58 = arith.muli %select_n3A_55, %mul3A_57 : i32
    %shift_right_logical3A_59 = arith.constant 7 : i32
    %shift_right_logical3A_60 = arith.shrui %mul3A_58, %shift_right_logical3A_59 : i32
    %shift_left3A_61 = arith.constant 7 : i32
    %shift_left3A_62 = arith.shli %shift_right_logical3A_60, %shift_left3A_61 : i32
    %multiple_of3A_63 = tpu.assume_multiple %shift_left3A_62, 128 : i32
    %mul3A_64 = arith.constant 96 : i32
    %mul3A_65 = arith.muli %select_n3A_55, %mul3A_64 : i32
    %sub3A_66 = arith.subi %mul3A_65, %multiple_of3A_63 : i32
    %shift_right_logical3A_67 = arith.constant 0 : i32
    %shift_right_logical3A_68 = arith.constant 2 : i32
    %shift_right_logical3A_69 = arith.shrui %shift_right_logical3A_67, %shift_right_logical3A_68 : i32
    %add3A_70 = arith.addi %mul3A_2, %shift_right_logical3A_69 : i32
    %and3A = arith.constant 0 : i32
    %and3A_71 = arith.constant 3 : i32
    %and3A_72 = arith.andi %and3A, %and3A_71 : i32
    %mul3A_73 = arith.constant 4 : i32
    %mul3A_74 = arith.muli %and3A_72, %mul3A_73 : i32
    %le3A = arith.constant 32 : i32
    %le3A_75 = arith.cmpi sle, %sub3A_66, %le3A : i32
    %convert_element_type3A = arith.extui %le3A_75 : i1 to i32
    %cond3A = arith.constant 0 : i32
    %cond3A_76 = arith.cmpi ne, %convert_element_type3A, %cond3A : i32
    scf.if %cond3A_76 {
      %dma_start3A = arith.constant 0 : i32
      %dma_start3A_349 = arith.constant 0 : i32
      %dma_start3A_350 = arith.constant 0 : i32
      %dma_start3A_351 = tpu.memref_slice %arg6[%and3A_72, %dma_start3A, %dma_start3A_349, %dma_start3A_350] : memref<4x4x16x256xf32, #tpu.memory_space<vmem>> -> memref<1x4x16x128xf32, #tpu.memory_space<vmem>>
      %dma_start3A_352 = tpu.memref_squeeze %dma_start3A_351 : memref<1x4x16x128xf32, #tpu.memory_space<vmem>> -> memref<4x16x128xf32, #tpu.memory_space<vmem>>
      %dma_start3A_353 = arith.constant 0 : i32
      %dma_start3A_354 = tpu.memref_slice %arg2[%add3A_70, %mul3A_74, %dma_start3A_353, %multiple_of3A_63] : memref<128x16x16x768xf32, #tpu.memory_space<hbm>> -> memref<1x4x16x128xf32, #tpu.memory_space<hbm>>
      %dma_start3A_355 = tpu.memref_squeeze %dma_start3A_354 : memref<1x4x16x128xf32, #tpu.memory_space<hbm>> -> memref<4x16x128xf32, #tpu.memory_space<hbm>>
      %dma_start3A_356 = tpu.memref_slice %arg8[%and3A_72] : memref<4x!tpu.dma_semaphore, #tpu.memory_space<semaphore_mem>> -> memref<1x!tpu.dma_semaphore, #tpu.memory_space<semaphore_mem>>
      %dma_start3A_357 = tpu.memref_squeeze %dma_start3A_356 : memref<1x!tpu.dma_semaphore, #tpu.memory_space<semaphore_mem>> -> memref<!tpu.dma_semaphore, #tpu.memory_space<semaphore_mem>>
      %dma_start3A_358 = arith.constant 0 : i32
      %dma_start3A_359 = arith.constant 0 : i32
      %dma_start3A_360 = arith.constant 0 : i32
      %dma_start3A_361 = tpu.memref_slice %arg6[%and3A_72, %dma_start3A_358, %dma_start3A_359, %dma_start3A_360] : memref<4x4x16x256xf32, #tpu.memory_space<vmem>> -> memref<1x4x16x128xf32, #tpu.memory_space<vmem>>
      %dma_start3A_362 = tpu.memref_squeeze %dma_start3A_361 : memref<1x4x16x128xf32, #tpu.memory_space<vmem>> -> memref<4x16x128xf32, #tpu.memory_space<vmem>>
      %dma_start3A_363 = arith.constant 0 : i32
      %dma_start3A_364 = tpu.memref_slice %arg2[%add3A_70, %mul3A_74, %dma_start3A_363, %multiple_of3A_63] : memref<128x16x16x768xf32, #tpu.memory_space<hbm>> -> memref<1x4x16x128xf32, #tpu.memory_space<hbm>>
      %dma_start3A_365 = tpu.memref_squeeze %dma_start3A_364 : memref<1x4x16x128xf32, #tpu.memory_space<hbm>> -> memref<4x16x128xf32, #tpu.memory_space<hbm>>
      tpu.enqueue_dma source(%dma_start3A_365 : memref<4x16x128xf32, #tpu.memory_space<hbm>>) target(%dma_start3A_362 : memref<4x16x128xf32, #tpu.memory_space<vmem>>) target_semaphore(%dma_start3A_357 : memref<!tpu.dma_semaphore, #tpu.memory_space<semaphore_mem>>)
    } else {
    }
    %gt3A_77 = arith.constant 32 : i32
    %gt3A_78 = arith.cmpi sgt, %sub3A_66, %gt3A_77 : i32
    %convert_element_type3A_79 = arith.extui %gt3A_78 : i1 to i32
    %cond3A_80 = arith.constant 0 : i32
    %cond3A_81 = arith.cmpi ne, %convert_element_type3A_79, %cond3A_80 : i32
    scf.if %cond3A_81 {
      %dma_start3A = arith.constant 0 : i32
      %dma_start3A_349 = arith.constant 0 : i32
      %dma_start3A_350 = arith.constant 0 : i32
      %dma_start3A_351 = tpu.memref_slice %arg6[%and3A_72, %dma_start3A, %dma_start3A_349, %dma_start3A_350] : memref<4x4x16x256xf32, #tpu.memory_space<vmem>> -> memref<1x4x16x256xf32, #tpu.memory_space<vmem>>
      %dma_start3A_352 = tpu.memref_squeeze %dma_start3A_351 : memref<1x4x16x256xf32, #tpu.memory_space<vmem>> -> memref<4x16x256xf32, #tpu.memory_space<vmem>>
      %dma_start3A_353 = arith.constant 0 : i32
      %dma_start3A_354 = tpu.memref_slice %arg2[%add3A_70, %mul3A_74, %dma_start3A_353, %multiple_of3A_63] : memref<128x16x16x768xf32, #tpu.memory_space<hbm>> -> memref<1x4x16x256xf32, #tpu.memory_space<hbm>>
      %dma_start3A_355 = tpu.memref_squeeze %dma_start3A_354 : memref<1x4x16x256xf32, #tpu.memory_space<hbm>> -> memref<4x16x256xf32, #tpu.memory_space<hbm>>
      %dma_start3A_356 = tpu.memref_slice %arg8[%and3A_72] : memref<4x!tpu.dma_semaphore, #tpu.memory_space<semaphore_mem>> -> memref<1x!tpu.dma_semaphore, #tpu.memory_space<semaphore_mem>>
      %dma_start3A_357 = tpu.memref_squeeze %dma_start3A_356 : memref<1x!tpu.dma_semaphore, #tpu.memory_space<semaphore_mem>> -> memref<!tpu.dma_semaphore, #tpu.memory_space<semaphore_mem>>
      %dma_start3A_358 = arith.constant 0 : i32
      %dma_start3A_359 = arith.constant 0 : i32
      %dma_start3A_360 = arith.constant 0 : i32
      %dma_start3A_361 = tpu.memref_slice %arg6[%and3A_72, %dma_start3A_358, %dma_start3A_359, %dma_start3A_360] : memref<4x4x16x256xf32, #tpu.memory_space<vmem>> -> memref<1x4x16x256xf32, #tpu.memory_space<vmem>>
      %dma_start3A_362 = tpu.memref_squeeze %dma_start3A_361 : memref<1x4x16x256xf32, #tpu.memory_space<vmem>> -> memref<4x16x256xf32, #tpu.memory_space<vmem>>
      %dma_start3A_363 = arith.constant 0 : i32
      %dma_start3A_364 = tpu.memref_slice %arg2[%add3A_70, %mul3A_74, %dma_start3A_363, %multiple_of3A_63] : memref<128x16x16x768xf32, #tpu.memory_space<hbm>> -> memref<1x4x16x256xf32, #tpu.memory_space<hbm>>
      %dma_start3A_365 = tpu.memref_squeeze %dma_start3A_364 : memref<1x4x16x256xf32, #tpu.memory_space<hbm>> -> memref<4x16x256xf32, #tpu.memory_space<hbm>>
      tpu.enqueue_dma source(%dma_start3A_365 : memref<4x16x256xf32, #tpu.memory_space<hbm>>) target(%dma_start3A_362 : memref<4x16x256xf32, #tpu.memory_space<vmem>>) target_semaphore(%dma_start3A_357 : memref<!tpu.dma_semaphore, #tpu.memory_space<semaphore_mem>>)
    } else {
    }
    %shift_right_logical3A_82 = arith.constant 1 : i32
    %shift_right_logical3A_83 = arith.constant 2 : i32
    %shift_right_logical3A_84 = arith.shrui %shift_right_logical3A_82, %shift_right_logical3A_83 : i32
    %mul3A_85 = arith.constant 16 : i32
    %mul3A_86 = arith.muli %shift_right_logical3A_84, %mul3A_85 : i32
    %add3A_87 = arith.addi %sub3A, %mul3A_86 : i32
    %get3A_88 = arith.index_cast %add3A_87 : i32 to index
    %get3A_89 = tpu.vector_load %arg5[%get3A_88] {strides = array<i32>} : memref<128xf32, #tpu.memory_space<vmem>>, vector<16xf32>,
    %get3A_90 = vector.shape_cast %get3A_89 : vector<16xf32> to vector<16xf32>
    %slice3A_91 = vector.extract_strided_slice %get3A_90 {offsets = [0], sizes = [1], strides = [1]} : vector<16xf32> to vector<1xf32>
    %squeeze3A_92 = vector.extract %slice3A_91[0] : f32 from vector<1xf32>
    %slice3A_93 = vector.extract_strided_slice %get3A_90 {offsets = [1], sizes = [1], strides = [1]} : vector<16xf32> to vector<1xf32>
    %squeeze3A_94 = vector.extract %slice3A_93[0] : f32 from vector<1xf32>
    %gt3A_95 = arith.cmpf ogt, %squeeze3A_94, %squeeze3A_92 : f32
    %jit3A_96 = arith.constant 1 : i32
    %jit3A_97 = arith.constant 0 : i32
    %select_n3A_98 = arith.select %gt3A_95, %jit3A_96, %jit3A_97 : i32
    %select_n3A_99 = arith.select %gt3A_95, %squeeze3A_94, %squeeze3A_92 : f32
    %slice3A_100 = vector.extract_strided_slice %get3A_90 {offsets = [2], sizes = [1], strides = [1]} : vector<16xf32> to vector<1xf32>
    %squeeze3A_101 = vector.extract %slice3A_100[0] : f32 from vector<1xf32>
    %gt3A_102 = arith.cmpf ogt, %squeeze3A_101, %select_n3A_99 : f32
    %jit3A_103 = arith.constant 2 : i32
    %select_n3A_104 = arith.select %gt3A_102, %jit3A_103, %select_n3A_98 : i32
    %select_n3A_105 = arith.select %gt3A_102, %squeeze3A_101, %select_n3A_99 : f32
    %slice3A_106 = vector.extract_strided_slice %get3A_90 {offsets = [3], sizes = [1], strides = [1]} : vector<16xf32> to vector<1xf32>
    %squeeze3A_107 = vector.extract %slice3A_106[0] : f32 from vector<1xf32>
    %gt3A_108 = arith.cmpf ogt, %squeeze3A_107, %select_n3A_105 : f32
    %jit3A_109 = arith.constant 3 : i32
    %select_n3A_110 = arith.select %gt3A_108, %jit3A_109, %select_n3A_104 : i32
    %select_n3A_111 = arith.select %gt3A_108, %squeeze3A_107, %select_n3A_105 : f32
    %slice3A_112 = vector.extract_strided_slice %get3A_90 {offsets = [4], sizes = [1], strides = [1]} : vector<16xf32> to vector<1xf32>
    %squeeze3A_113 = vector.extract %slice3A_112[0] : f32 from vector<1xf32>
    %gt3A_114 = arith.cmpf ogt, %squeeze3A_113, %select_n3A_111 : f32
    %jit3A_115 = arith.constant 4 : i32
    %select_n3A_116 = arith.select %gt3A_114, %jit3A_115, %select_n3A_110 : i32
    %select_n3A_117 = arith.select %gt3A_114, %squeeze3A_113, %select_n3A_111 : f32
    %slice3A_118 = vector.extract_strided_slice %get3A_90 {offsets = [5], sizes = [1], strides = [1]} : vector<16xf32> to vector<1xf32>
    %squeeze3A_119 = vector.extract %slice3A_118[0] : f32 from vector<1xf32>
    %gt3A_120 = arith.cmpf ogt, %squeeze3A_119, %select_n3A_117 : f32
    %jit3A_121 = arith.constant 5 : i32
    %select_n3A_122 = arith.select %gt3A_120, %jit3A_121, %select_n3A_116 : i32
    %select_n3A_123 = arith.select %gt3A_120, %squeeze3A_119, %select_n3A_117 : f32
    %slice3A_124 = vector.extract_strided_slice %get3A_90 {offsets = [6], sizes = [1], strides = [1]} : vector<16xf32> to vector<1xf32>
    %squeeze3A_125 = vector.extract %slice3A_124[0] : f32 from vector<1xf32>
    %gt3A_126 = arith.cmpf ogt, %squeeze3A_125, %select_n3A_123 : f32
    %jit3A_127 = arith.constant 6 : i32
    %select_n3A_128 = arith.select %gt3A_126, %jit3A_127, %select_n3A_122 : i32
    %select_n3A_129 = arith.select %gt3A_126, %squeeze3A_125, %select_n3A_123 : f32
    %slice3A_130 = vector.extract_strided_slice %get3A_90 {offsets = [7], sizes = [1], strides = [1]} : vector<16xf32> to vector<1xf32>
    %squeeze3A_131 = vector.extract %slice3A_130[0] : f32 from vector<1xf32>
    %gt3A_132 = arith.cmpf ogt, %squeeze3A_131, %select_n3A_129 : f32
    %jit3A_133 = arith.constant 7 : i32
    %select_n3A_134 = arith.select %gt3A_132, %jit3A_133, %select_n3A_128 : i32
    %select_n3A_135 = arith.select %gt3A_132, %squeeze3A_131, %select_n3A_129 : f32
    %mul3A_136 = arith.constant 96 : i32
    %mul3A_137 = arith.muli %select_n3A_134, %mul3A_136 : i32
    %shift_right_logical3A_138 = arith.constant 7 : i32
    %shift_right_logical3A_139 = arith.shrui %mul3A_137, %shift_right_logical3A_138 : i32
    %shift_left3A_140 = arith.constant 7 : i32
    %shift_left3A_141 = arith.shli %shift_right_logical3A_139, %shift_left3A_140 : i32
    %multiple_of3A_142 = tpu.assume_multiple %shift_left3A_141, 128 : i32
    %mul3A_143 = arith.constant 96 : i32
    %mul3A_144 = arith.muli %select_n3A_134, %mul3A_143 : i32
    %sub3A_145 = arith.subi %mul3A_144, %multiple_of3A_142 : i32
    %shift_right_logical3A_146 = arith.constant 1 : i32
    %shift_right_logical3A_147 = arith.constant 2 : i32
    %shift_right_logical3A_148 = arith.shrui %shift_right_logical3A_146, %shift_right_logical3A_147 : i32
    %add3A_149 = arith.addi %mul3A_2, %shift_right_logical3A_148 : i32
    %and3A_150 = arith.constant 1 : i32
    %and3A_151 = arith.constant 3 : i32
    %and3A_152 = arith.andi %and3A_150, %and3A_151 : i32
    %mul3A_153 = arith.constant 4 : i32
    %mul3A_154 = arith.muli %and3A_152, %mul3A_153 : i32
    %le3A_155 = arith.constant 32 : i32
    %le3A_156 = arith.cmpi sle, %sub3A_145, %le3A_155 : i32
    %convert_element_type3A_157 = arith.extui %le3A_156 : i1 to i32
    %cond3A_158 = arith.constant 0 : i32
    %cond3A_159 = arith.cmpi ne, %convert_element_type3A_157, %cond3A_158 : i32
    scf.if %cond3A_159 {
      %dma_start3A = arith.constant 0 : i32
      %dma_start3A_349 = arith.constant 0 : i32
      %dma_start3A_350 = arith.constant 0 : i32
      %dma_start3A_351 = tpu.memref_slice %arg6[%and3A_152, %dma_start3A, %dma_start3A_349, %dma_start3A_350] : memref<4x4x16x256xf32, #tpu.memory_space<vmem>> -> memref<1x4x16x128xf32, #tpu.memory_space<vmem>>
      %dma_start3A_352 = tpu.memref_squeeze %dma_start3A_351 : memref<1x4x16x128xf32, #tpu.memory_space<vmem>> -> memref<4x16x128xf32, #tpu.memory_space<vmem>>
      %dma_start3A_353 = arith.constant 0 : i32
      %dma_start3A_354 = tpu.memref_slice %arg2[%add3A_149, %mul3A_154, %dma_start3A_353, %multiple_of3A_142] : memref<128x16x16x768xf32, #tpu.memory_space<hbm>> -> memref<1x4x16x128xf32, #tpu.memory_space<hbm>>
      %dma_start3A_355 = tpu.memref_squeeze %dma_start3A_354 : memref<1x4x16x128xf32, #tpu.memory_space<hbm>> -> memref<4x16x128xf32, #tpu.memory_space<hbm>>
      %dma_start3A_356 = tpu.memref_slice %arg8[%and3A_152] : memref<4x!tpu.dma_semaphore, #tpu.memory_space<semaphore_mem>> -> memref<1x!tpu.dma_semaphore, #tpu.memory_space<semaphore_mem>>
      %dma_start3A_357 = tpu.memref_squeeze %dma_start3A_356 : memref<1x!tpu.dma_semaphore, #tpu.memory_space<semaphore_mem>> -> memref<!tpu.dma_semaphore, #tpu.memory_space<semaphore_mem>>
      %dma_start3A_358 = arith.constant 0 : i32
      %dma_start3A_359 = arith.constant 0 : i32
      %dma_start3A_360 = arith.constant 0 : i32
      %dma_start3A_361 = tpu.memref_slice %arg6[%and3A_152, %dma_start3A_358, %dma_start3A_359, %dma_start3A_360] : memref<4x4x16x256xf32, #tpu.memory_space<vmem>> -> memref<1x4x16x128xf32, #tpu.memory_space<vmem>>
      %dma_start3A_362 = tpu.memref_squeeze %dma_start3A_361 : memref<1x4x16x128xf32, #tpu.memory_space<vmem>> -> memref<4x16x128xf32, #tpu.memory_space<vmem>>
      %dma_start3A_363 = arith.constant 0 : i32
      %dma_start3A_364 = tpu.memref_slice %arg2[%add3A_149, %mul3A_154, %dma_start3A_363, %multiple_of3A_142] : memref<128x16x16x768xf32, #tpu.memory_space<hbm>> -> memref<1x4x16x128xf32, #tpu.memory_space<hbm>>
      %dma_start3A_365 = tpu.memref_squeeze %dma_start3A_364 : memref<1x4x16x128xf32, #tpu.memory_space<hbm>> -> memref<4x16x128xf32, #tpu.memory_space<hbm>>
      tpu.enqueue_dma source(%dma_start3A_365 : memref<4x16x128xf32, #tpu.memory_space<hbm>>) target(%dma_start3A_362 : memref<4x16x128xf32, #tpu.memory_space<vmem>>) target_semaphore(%dma_start3A_357 : memref<!tpu.dma_semaphore, #tpu.memory_space<semaphore_mem>>)
    } else {
    }
    %gt3A_160 = arith.constant 32 : i32
    %gt3A_161 = arith.cmpi sgt, %sub3A_145, %gt3A_160 : i32
    %convert_element_type3A_162 = arith.extui %gt3A_161 : i1 to i32
    %cond3A_163 = arith.constant 0 : i32
    %cond3A_164 = arith.cmpi ne, %convert_element_type3A_162, %cond3A_163 : i32
    scf.if %cond3A_164 {
      %dma_start3A = arith.constant 0 : i32
      %dma_start3A_349 = arith.constant 0 : i32
      %dma_start3A_350 = arith.constant 0 : i32
      %dma_start3A_351 = tpu.memref_slice %arg6[%and3A_152, %dma_start3A, %dma_start3A_349, %dma_start3A_350] : memref<4x4x16x256xf32, #tpu.memory_space<vmem>> -> memref<1x4x16x256xf32, #tpu.memory_space<vmem>>
      %dma_start3A_352 = tpu.memref_squeeze %dma_start3A_351 : memref<1x4x16x256xf32, #tpu.memory_space<vmem>> -> memref<4x16x256xf32, #tpu.memory_space<vmem>>
      %dma_start3A_353 = arith.constant 0 : i32
      %dma_start3A_354 = tpu.memref_slice %arg2[%add3A_149, %mul3A_154, %dma_start3A_353, %multiple_of3A_142] : memref<128x16x16x768xf32, #tpu.memory_space<hbm>> -> memref<1x4x16x256xf32, #tpu.memory_space<hbm>>
      %dma_start3A_355 = tpu.memref_squeeze %dma_start3A_354 : memref<1x4x16x256xf32, #tpu.memory_space<hbm>> -> memref<4x16x256xf32, #tpu.memory_space<hbm>>
      %dma_start3A_356 = tpu.memref_slice %arg8[%and3A_152] : memref<4x!tpu.dma_semaphore, #tpu.memory_space<semaphore_mem>> -> memref<1x!tpu.dma_semaphore, #tpu.memory_space<semaphore_mem>>
      %dma_start3A_357 = tpu.memref_squeeze %dma_start3A_356 : memref<1x!tpu.dma_semaphore, #tpu.memory_space<semaphore_mem>> -> memref<!tpu.dma_semaphore, #tpu.memory_space<semaphore_mem>>
      %dma_start3A_358 = arith.constant 0 : i32
      %dma_start3A_359 = arith.constant 0 : i32
      %dma_start3A_360 = arith.constant 0 : i32
      %dma_start3A_361 = tpu.memref_slice %arg6[%and3A_152, %dma_start3A_358, %dma_start3A_359, %dma_start3A_360] : memref<4x4x16x256xf32, #tpu.memory_space<vmem>> -> memref<1x4x16x256xf32, #tpu.memory_space<vmem>>
      %dma_start3A_362 = tpu.memref_squeeze %dma_start3A_361 : memref<1x4x16x256xf32, #tpu.memory_space<vmem>> -> memref<4x16x256xf32, #tpu.memory_space<vmem>>
      %dma_start3A_363 = arith.constant 0 : i32
      %dma_start3A_364 = tpu.memref_slice %arg2[%add3A_149, %mul3A_154, %dma_start3A_363, %multiple_of3A_142] : memref<128x16x16x768xf32, #tpu.memory_space<hbm>> -> memref<1x4x16x256xf32, #tpu.memory_space<hbm>>
      %dma_start3A_365 = tpu.memref_squeeze %dma_start3A_364 : memref<1x4x16x256xf32, #tpu.memory_space<hbm>> -> memref<4x16x256xf32, #tpu.memory_space<hbm>>
      tpu.enqueue_dma source(%dma_start3A_365 : memref<4x16x256xf32, #tpu.memory_space<hbm>>) target(%dma_start3A_362 : memref<4x16x256xf32, #tpu.memory_space<vmem>>) target_semaphore(%dma_start3A_357 : memref<!tpu.dma_semaphore, #tpu.memory_space<semaphore_mem>>)
    } else {
    }
    %shift_right_logical3A_165 = arith.constant 2 : i32
    %shift_right_logical3A_166 = arith.constant 2 : i32
    %shift_right_logical3A_167 = arith.shrui %shift_right_logical3A_165, %shift_right_logical3A_166 : i32
    %mul3A_168 = arith.constant 16 : i32
    %mul3A_169 = arith.muli %shift_right_logical3A_167, %mul3A_168 : i32
    %add3A_170 = arith.addi %sub3A, %mul3A_169 : i32
    %get3A_171 = arith.index_cast %add3A_170 : i32 to index
    %get3A_172 = tpu.vector_load %arg5[%get3A_171] {strides = array<i32>} : memref<128xf32, #tpu.memory_space<vmem>>, vector<16xf32>,
    %get3A_173 = vector.shape_cast %get3A_172 : vector<16xf32> to vector<16xf32>
    %slice3A_174 = vector.extract_strided_slice %get3A_173 {offsets = [0], sizes = [1], strides = [1]} : vector<16xf32> to vector<1xf32>
    %squeeze3A_175 = vector.extract %slice3A_174[0] : f32 from vector<1xf32>
    %slice3A_176 = vector.extract_strided_slice %get3A_173 {offsets = [1], sizes = [1], strides = [1]} : vector<16xf32> to vector<1xf32>
    %squeeze3A_177 = vector.extract %slice3A_176[0] : f32 from vector<1xf32>
    %gt3A_178 = arith.cmpf ogt, %squeeze3A_177, %squeeze3A_175 : f32
    %jit3A_179 = arith.constant 1 : i32
    %jit3A_180 = arith.constant 0 : i32
    %select_n3A_181 = arith.select %gt3A_178, %jit3A_179, %jit3A_180 : i32
    %select_n3A_182 = arith.select %gt3A_178, %squeeze3A_177, %squeeze3A_175 : f32
    %slice3A_183 = vector.extract_strided_slice %get3A_173 {offsets = [2], sizes = [1], strides = [1]} : vector<16xf32> to vector<1xf32>
    %squeeze3A_184 = vector.extract %slice3A_183[0] : f32 from vector<1xf32>
    %gt3A_185 = arith.cmpf ogt, %squeeze3A_184, %select_n3A_182 : f32
    %jit3A_186 = arith.constant 2 : i32
    %select_n3A_187 = arith.select %gt3A_185, %jit3A_186, %select_n3A_181 : i32
    %select_n3A_188 = arith.select %gt3A_185, %squeeze3A_184, %select_n3A_182 : f32
    %slice3A_189 = vector.extract_strided_slice %get3A_173 {offsets = [3], sizes = [1], strides = [1]} : vector<16xf32> to vector<1xf32>
    %squeeze3A_190 = vector.extract %slice3A_189[0] : f32 from vector<1xf32>
    %gt3A_191 = arith.cmpf ogt, %squeeze3A_190, %select_n3A_188 : f32
    %jit3A_192 = arith.constant 3 : i32
    %select_n3A_193 = arith.select %gt3A_191, %jit3A_192, %select_n3A_187 : i32
    %select_n3A_194 = arith.select %gt3A_191, %squeeze3A_190, %select_n3A_188 : f32
    %slice3A_195 = vector.extract_strided_slice %get3A_173 {offsets = [4], sizes = [1], strides = [1]} : vector<16xf32> to vector<1xf32>
    %squeeze3A_196 = vector.extract %slice3A_195[0] : f32 from vector<1xf32>
    %gt3A_197 = arith.cmpf ogt, %squeeze3A_196, %select_n3A_194 : f32
    %jit3A_198 = arith.constant 4 : i32
    %select_n3A_199 = arith.select %gt3A_197, %jit3A_198, %select_n3A_193 : i32
    %select_n3A_200 = arith.select %gt3A_197, %squeeze3A_196, %select_n3A_194 : f32
    %slice3A_201 = vector.extract_strided_slice %get3A_173 {offsets = [5], sizes = [1], strides = [1]} : vector<16xf32> to vector<1xf32>
    %squeeze3A_202 = vector.extract %slice3A_201[0] : f32 from vector<1xf32>
    %gt3A_203 = arith.cmpf ogt, %squeeze3A_202, %select_n3A_200 : f32
    %jit3A_204 = arith.constant 5 : i32
    %select_n3A_205 = arith.select %gt3A_203, %jit3A_204, %select_n3A_199 : i32
    %select_n3A_206 = arith.select %gt3A_203, %squeeze3A_202, %select_n3A_200 : f32
    %slice3A_207 = vector.extract_strided_slice %get3A_173 {offsets = [6], sizes = [1], strides = [1]} : vector<16xf32> to vector<1xf32>
    %squeeze3A_208 = vector.extract %slice3A_207[0] : f32 from vector<1xf32>
    %gt3A_209 = arith.cmpf ogt, %squeeze3A_208, %select_n3A_206 : f32
    %jit3A_210 = arith.constant 6 : i32
    %select_n3A_211 = arith.select %gt3A_209, %jit3A_210, %select_n3A_205 : i32
    %select_n3A_212 = arith.select %gt3A_209, %squeeze3A_208, %select_n3A_206 : f32
    %slice3A_213 = vector.extract_strided_slice %get3A_173 {offsets = [7], sizes = [1], strides = [1]} : vector<16xf32> to vector<1xf32>
    %squeeze3A_214 = vector.extract %slice3A_213[0] : f32 from vector<1xf32>
    %gt3A_215 = arith.cmpf ogt, %squeeze3A_214, %select_n3A_212 : f32
    %jit3A_216 = arith.constant 7 : i32
    %select_n3A_217 = arith.select %gt3A_215, %jit3A_216, %select_n3A_211 : i32
    %select_n3A_218 = arith.select %gt3A_215, %squeeze3A_214, %select_n3A_212 : f32
    %mul3A_219 = arith.constant 96 : i32
    %mul3A_220 = arith.muli %select_n3A_217, %mul3A_219 : i32
    %shift_right_logical3A_221 = arith.constant 7 : i32
    %shift_right_logical3A_222 = arith.shrui %mul3A_220, %shift_right_logical3A_221 : i32
    %shift_left3A_223 = arith.constant 7 : i32
    %shift_left3A_224 = arith.shli %shift_right_logical3A_222, %shift_left3A_223 : i32
    %multiple_of3A_225 = tpu.assume_multiple %shift_left3A_224, 128 : i32
    %mul3A_226 = arith.constant 96 : i32
    %mul3A_227 = arith.muli %select_n3A_217, %mul3A_226 : i32
    %sub3A_228 = arith.subi %mul3A_227, %multiple_of3A_225 : i32
    %shift_right_logical3A_229 = arith.constant 2 : i32
    %shift_right_logical3A_230 = arith.constant 2 : i32
    %shift_right_logical3A_231 = arith.shrui %shift_right_logical3A_229, %shift_right_logical3A_230 : i32
    %add3A_232 = arith.addi %mul3A_2, %shift_right_logical3A_231 : i32
    %and3A_233 = arith.constant 2 : i32
    %and3A_234 = arith.constant 3 : i32
    %and3A_235 = arith.andi %and3A_233, %and3A_234 : i32
    %mul3A_236 = arith.constant 4 : i32
    %mul3A_237 = arith.muli %and3A_235, %mul3A_236 : i32
    %le3A_238 = arith.constant 32 : i32
    %le3A_239 = arith.cmpi sle, %sub3A_228, %le3A_238 : i32
    %convert_element_type3A_240 = arith.extui %le3A_239 : i1 to i32
    %cond3A_241 = arith.constant 0 : i32
    %cond3A_242 = arith.cmpi ne, %convert_element_type3A_240, %cond3A_241 : i32
    scf.if %cond3A_242 {
      %dma_start3A = arith.constant 0 : i32
      %dma_start3A_349 = arith.constant 0 : i32
      %dma_start3A_350 = arith.constant 0 : i32
      %dma_start3A_351 = tpu.memref_slice %arg6[%and3A_235, %dma_start3A, %dma_start3A_349, %dma_start3A_350] : memref<4x4x16x256xf32, #tpu.memory_space<vmem>> -> memref<1x4x16x128xf32, #tpu.memory_space<vmem>>
      %dma_start3A_352 = tpu.memref_squeeze %dma_start3A_351 : memref<1x4x16x128xf32, #tpu.memory_space<vmem>> -> memref<4x16x128xf32, #tpu.memory_space<vmem>>
      %dma_start3A_353 = arith.constant 0 : i32
      %dma_start3A_354 = tpu.memref_slice %arg2[%add3A_232, %mul3A_237, %dma_start3A_353, %multiple_of3A_225] : memref<128x16x16x768xf32, #tpu.memory_space<hbm>> -> memref<1x4x16x128xf32, #tpu.memory_space<hbm>>
      %dma_start3A_355 = tpu.memref_squeeze %dma_start3A_354 : memref<1x4x16x128xf32, #tpu.memory_space<hbm>> -> memref<4x16x128xf32, #tpu.memory_space<hbm>>
      %dma_start3A_356 = tpu.memref_slice %arg8[%and3A_235] : memref<4x!tpu.dma_semaphore, #tpu.memory_space<semaphore_mem>> -> memref<1x!tpu.dma_semaphore, #tpu.memory_space<semaphore_mem>>
      %dma_start3A_357 = tpu.memref_squeeze %dma_start3A_356 : memref<1x!tpu.dma_semaphore, #tpu.memory_space<semaphore_mem>> -> memref<!tpu.dma_semaphore, #tpu.memory_space<semaphore_mem>>
      %dma_start3A_358 = arith.constant 0 : i32
      %dma_start3A_359 = arith.constant 0 : i32
      %dma_start3A_360 = arith.constant 0 : i32
      %dma_start3A_361 = tpu.memref_slice %arg6[%and3A_235, %dma_start3A_358, %dma_start3A_359, %dma_start3A_360] : memref<4x4x16x256xf32, #tpu.memory_space<vmem>> -> memref<1x4x16x128xf32, #tpu.memory_space<vmem>>
      %dma_start3A_362 = tpu.memref_squeeze %dma_start3A_361 : memref<1x4x16x128xf32, #tpu.memory_space<vmem>> -> memref<4x16x128xf32, #tpu.memory_space<vmem>>
      %dma_start3A_363 = arith.constant 0 : i32
      %dma_start3A_364 = tpu.memref_slice %arg2[%add3A_232, %mul3A_237, %dma_start3A_363, %multiple_of3A_225] : memref<128x16x16x768xf32, #tpu.memory_space<hbm>> -> memref<1x4x16x128xf32, #tpu.memory_space<hbm>>
      %dma_start3A_365 = tpu.memref_squeeze %dma_start3A_364 : memref<1x4x16x128xf32, #tpu.memory_space<hbm>> -> memref<4x16x128xf32, #tpu.memory_space<hbm>>
      tpu.enqueue_dma source(%dma_start3A_365 : memref<4x16x128xf32, #tpu.memory_space<hbm>>) target(%dma_start3A_362 : memref<4x16x128xf32, #tpu.memory_space<vmem>>) target_semaphore(%dma_start3A_357 : memref<!tpu.dma_semaphore, #tpu.memory_space<semaphore_mem>>)
    } else {
    }
    %gt3A_243 = arith.constant 32 : i32
    %gt3A_244 = arith.cmpi sgt, %sub3A_228, %gt3A_243 : i32
    %convert_element_type3A_245 = arith.extui %gt3A_244 : i1 to i32
    %cond3A_246 = arith.constant 0 : i32
    %cond3A_247 = arith.cmpi ne, %convert_element_type3A_245, %cond3A_246 : i32
    scf.if %cond3A_247 {
      %dma_start3A = arith.constant 0 : i32
      %dma_start3A_349 = arith.constant 0 : i32
      %dma_start3A_350 = arith.constant 0 : i32
      %dma_start3A_351 = tpu.memref_slice %arg6[%and3A_235, %dma_start3A, %dma_start3A_349, %dma_start3A_350] : memref<4x4x16x256xf32, #tpu.memory_space<vmem>> -> memref<1x4x16x256xf32, #tpu.memory_space<vmem>>
      %dma_start3A_352 = tpu.memref_squeeze %dma_start3A_351 : memref<1x4x16x256xf32, #tpu.memory_space<vmem>> -> memref<4x16x256xf32, #tpu.memory_space<vmem>>
      %dma_start3A_353 = arith.constant 0 : i32
      %dma_start3A_354 = tpu.memref_slice %arg2[%add3A_232, %mul3A_237, %dma_start3A_353, %multiple_of3A_225] : memref<128x16x16x768xf32, #tpu.memory_space<hbm>> -> memref<1x4x16x256xf32, #tpu.memory_space<hbm>>
      %dma_start3A_355 = tpu.memref_squeeze %dma_start3A_354 : memref<1x4x16x256xf32, #tpu.memory_space<hbm>> -> memref<4x16x256xf32, #tpu.memory_space<hbm>>
      %dma_start3A_356 = tpu.memref_slice %arg8[%and3A_235] : memref<4x!tpu.dma_semaphore, #tpu.memory_space<semaphore_mem>> -> memref<1x!tpu.dma_semaphore, #tpu.memory_space<semaphore_mem>>
      %dma_start3A_357 = tpu.memref_squeeze %dma_start3A_356 : memref<1x!tpu.dma_semaphore, #tpu.memory_space<semaphore_mem>> -> memref<!tpu.dma_semaphore, #tpu.memory_space<semaphore_mem>>
      %dma_start3A_358 = arith.constant 0 : i32
      %dma_start3A_359 = arith.constant 0 : i32
      %dma_start3A_360 = arith.constant 0 : i32
      %dma_start3A_361 = tpu.memref_slice %arg6[%and3A_235, %dma_start3A_358, %dma_start3A_359, %dma_start3A_360] : memref<4x4x16x256xf32, #tpu.memory_space<vmem>> -> memref<1x4x16x256xf32, #tpu.memory_space<vmem>>
      %dma_start3A_362 = tpu.memref_squeeze %dma_start3A_361 : memref<1x4x16x256xf32, #tpu.memory_space<vmem>> -> memref<4x16x256xf32, #tpu.memory_space<vmem>>
      %dma_start3A_363 = arith.constant 0 : i32
      %dma_start3A_364 = tpu.memref_slice %arg2[%add3A_232, %mul3A_237, %dma_start3A_363, %multiple_of3A_225] : memref<128x16x16x768xf32, #tpu.memory_space<hbm>> -> memref<1x4x16x256xf32, #tpu.memory_space<hbm>>
      %dma_start3A_365 = tpu.memref_squeeze %dma_start3A_364 : memref<1x4x16x256xf32, #tpu.memory_space<hbm>> -> memref<4x16x256xf32, #tpu.memory_space<hbm>>
      tpu.enqueue_dma source(%dma_start3A_365 : memref<4x16x256xf32, #tpu.memory_space<hbm>>) target(%dma_start3A_362 : memref<4x16x256xf32, #tpu.memory_space<vmem>>) target_semaphore(%dma_start3A_357 : memref<!tpu.dma_semaphore, #tpu.memory_space<semaphore_mem>>)
    } else {
    }
    %scan3A = arith.constant 0 : i32
    %scan3A_248 = arith.constant 0 : i32
    %scan3A_249 = arith.constant 16 : i32
    %scan3A_250 = arith.addi %scan3A_248, %scan3A_249 : i32
    %scan3A_251 = arith.constant 1 : i32
    %scan3A_252 = scf.for %scan3A_349 = %scan3A_248 to %scan3A_250 step %scan3A_251 iter_args(%scan3A_350 = %scan3A) -> (i32)  : i32 {
      %and3A_351 = arith.constant 3 : i32
      %and3A_352 = arith.andi %scan3A_349, %and3A_351 : i32
      %shift_right_logical3A_353 = arith.constant 2 : i32
      %shift_right_logical3A_354 = arith.shrui %scan3A_349, %shift_right_logical3A_353 : i32
      %add3A_355 = arith.addi %mul3A_2, %shift_right_logical3A_354 : i32
      %mul3A_356 = arith.constant 4 : i32
      %mul3A_357 = arith.muli %and3A_352, %mul3A_356 : i32
      %shift_right_logical3A_358 = arith.constant 2 : i32
      %shift_right_logical3A_359 = arith.shrui %scan3A_349, %shift_right_logical3A_358 : i32
      %mul3A_360 = arith.constant 16 : i32
      %mul3A_361 = arith.muli %shift_right_logical3A_359, %mul3A_360 : i32
      %add3A_362 = arith.addi %sub3A, %mul3A_361 : i32
      %get3A_363 = arith.index_cast %add3A_362 : i32 to index
      %get3A_364 = tpu.vector_load %arg5[%get3A_363] {strides = array<i32>} : memref<128xf32, #tpu.memory_space<vmem>>, vector<16xf32>,
      %get3A_365 = vector.shape_cast %get3A_364 : vector<16xf32> to vector<16xf32>
      %slice3A_366 = vector.extract_strided_slice %get3A_365 {offsets = [0], sizes = [1], strides = [1]} : vector<16xf32> to vector<1xf32>
      %squeeze3A_367 = vector.extract %slice3A_366[0] : f32 from vector<1xf32>
      %slice3A_368 = vector.extract_strided_slice %get3A_365 {offsets = [1], sizes = [1], strides = [1]} : vector<16xf32> to vector<1xf32>
      %squeeze3A_369 = vector.extract %slice3A_368[0] : f32 from vector<1xf32>
      %gt3A_370 = arith.cmpf ogt, %squeeze3A_369, %squeeze3A_367 : f32
      %jit3A_371 = arith.constant 1 : i32
      %jit3A_372 = arith.constant 0 : i32
      %select_n3A_373 = arith.select %gt3A_370, %jit3A_371, %jit3A_372 : i32
      %select_n3A_374 = arith.select %gt3A_370, %squeeze3A_369, %squeeze3A_367 : f32
      %slice3A_375 = vector.extract_strided_slice %get3A_365 {offsets = [2], sizes = [1], strides = [1]} : vector<16xf32> to vector<1xf32>
      %squeeze3A_376 = vector.extract %slice3A_375[0] : f32 from vector<1xf32>
      %gt3A_377 = arith.cmpf ogt, %squeeze3A_376, %select_n3A_374 : f32
      %jit3A_378 = arith.constant 2 : i32
      %select_n3A_379 = arith.select %gt3A_377, %jit3A_378, %select_n3A_373 : i32
      %select_n3A_380 = arith.select %gt3A_377, %squeeze3A_376, %select_n3A_374 : f32
      %slice3A_381 = vector.extract_strided_slice %get3A_365 {offsets = [3], sizes = [1], strides = [1]} : vector<16xf32> to vector<1xf32>
      %squeeze3A_382 = vector.extract %slice3A_381[0] : f32 from vector<1xf32>
      %gt3A_383 = arith.cmpf ogt, %squeeze3A_382, %select_n3A_380 : f32
      %jit3A_384 = arith.constant 3 : i32
      %select_n3A_385 = arith.select %gt3A_383, %jit3A_384, %select_n3A_379 : i32
      %select_n3A_386 = arith.select %gt3A_383, %squeeze3A_382, %select_n3A_380 : f32
      %slice3A_387 = vector.extract_strided_slice %get3A_365 {offsets = [4], sizes = [1], strides = [1]} : vector<16xf32> to vector<1xf32>
      %squeeze3A_388 = vector.extract %slice3A_387[0] : f32 from vector<1xf32>
      %gt3A_389 = arith.cmpf ogt, %squeeze3A_388, %select_n3A_386 : f32
      %jit3A_390 = arith.constant 4 : i32
      %select_n3A_391 = arith.select %gt3A_389, %jit3A_390, %select_n3A_385 : i32
      %select_n3A_392 = arith.select %gt3A_389, %squeeze3A_388, %select_n3A_386 : f32
      %slice3A_393 = vector.extract_strided_slice %get3A_365 {offsets = [5], sizes = [1], strides = [1]} : vector<16xf32> to vector<1xf32>
      %squeeze3A_394 = vector.extract %slice3A_393[0] : f32 from vector<1xf32>
      %gt3A_395 = arith.cmpf ogt, %squeeze3A_394, %select_n3A_392 : f32
      %jit3A_396 = arith.constant 5 : i32
      %select_n3A_397 = arith.select %gt3A_395, %jit3A_396, %select_n3A_391 : i32
      %select_n3A_398 = arith.select %gt3A_395, %squeeze3A_394, %select_n3A_392 : f32
      %slice3A_399 = vector.extract_strided_slice %get3A_365 {offsets = [6], sizes = [1], strides = [1]} : vector<16xf32> to vector<1xf32>
      %squeeze3A_400 = vector.extract %slice3A_399[0] : f32 from vector<1xf32>
      %gt3A_401 = arith.cmpf ogt, %squeeze3A_400, %select_n3A_398 : f32
      %jit3A_402 = arith.constant 6 : i32
      %select_n3A_403 = arith.select %gt3A_401, %jit3A_402, %select_n3A_397 : i32
      %select_n3A_404 = arith.select %gt3A_401, %squeeze3A_400, %select_n3A_398 : f32
      %slice3A_405 = vector.extract_strided_slice %get3A_365 {offsets = [7], sizes = [1], strides = [1]} : vector<16xf32> to vector<1xf32>
      %squeeze3A_406 = vector.extract %slice3A_405[0] : f32 from vector<1xf32>
      %gt3A_407 = arith.cmpf ogt, %squeeze3A_406, %select_n3A_404 : f32
      %jit3A_408 = arith.constant 7 : i32
      %select_n3A_409 = arith.select %gt3A_407, %jit3A_408, %select_n3A_403 : i32
      %select_n3A_410 = arith.select %gt3A_407, %squeeze3A_406, %select_n3A_404 : f32
      %mul3A_411 = arith.constant 96 : i32
      %mul3A_412 = arith.muli %select_n3A_409, %mul3A_411 : i32
      %mul3A_413 = arith.constant 96 : i32
      %mul3A_414 = arith.muli %select_n3A_409, %mul3A_413 : i32
      %shift_right_logical3A_415 = arith.constant 7 : i32
      %shift_right_logical3A_416 = arith.shrui %mul3A_414, %shift_right_logical3A_415 : i32
      %shift_left3A_417 = arith.constant 7 : i32
      %shift_left3A_418 = arith.shli %shift_right_logical3A_416, %shift_left3A_417 : i32
      %multiple_of3A_419 = tpu.assume_multiple %shift_left3A_418, 128 : i32
      %sub3A_420 = arith.subi %mul3A_412, %multiple_of3A_419 : i32
      %multiple_of3A_421 = tpu.assume_multiple %sub3A_420, 16 : i32
      %le3A_422 = arith.constant 32 : i32
      %le3A_423 = arith.cmpi sle, %multiple_of3A_421, %le3A_422 : i32
      %convert_element_type3A_424 = arith.extui %le3A_423 : i1 to i32
      %cond3A_425 = arith.constant 0 : i32
      %cond3A_426 = arith.cmpi ne, %convert_element_type3A_424, %cond3A_425 : i32
      scf.if %cond3A_426 {
        %dma_wait3A_460 = arith.constant 0 : i32
        %dma_wait3A_461 = arith.constant 0 : i32
        %dma_wait3A_462 = arith.constant 0 : i32
        %dma_wait3A_463 = tpu.memref_slice %arg6[%and3A_352, %dma_wait3A_460, %dma_wait3A_461, %dma_wait3A_462] : memref<4x4x16x256xf32, #tpu.memory_space<vmem>> -> memref<1x4x16x128xf32, #tpu.memory_space<vmem>>
        %dma_wait3A_464 = tpu.memref_squeeze %dma_wait3A_463 : memref<1x4x16x128xf32, #tpu.memory_space<vmem>> -> memref<4x16x128xf32, #tpu.memory_space<vmem>>
        %dma_wait3A_465 = arith.constant 0 : i32
        %dma_wait3A_466 = arith.constant 0 : i32
        %dma_wait3A_467 = tpu.memref_slice %arg2[%add3A_355, %mul3A_357, %dma_wait3A_465, %dma_wait3A_466] : memref<128x16x16x768xf32, #tpu.memory_space<hbm>> -> memref<1x4x16x128xf32, #tpu.memory_space<hbm>>
        %dma_wait3A_468 = tpu.memref_squeeze %dma_wait3A_467 : memref<1x4x16x128xf32, #tpu.memory_space<hbm>> -> memref<4x16x128xf32, #tpu.memory_space<hbm>>
        %dma_wait3A_469 = tpu.memref_slice %arg8[%and3A_352] : memref<4x!tpu.dma_semaphore, #tpu.memory_space<semaphore_mem>> -> memref<1x!tpu.dma_semaphore, #tpu.memory_space<semaphore_mem>>
        %dma_wait3A_470 = tpu.memref_squeeze %dma_wait3A_469 : memref<1x!tpu.dma_semaphore, #tpu.memory_space<semaphore_mem>> -> memref<!tpu.dma_semaphore, #tpu.memory_space<semaphore_mem>>
        %dma_wait3A_471 = arith.constant 0 : i32
        %dma_wait3A_472 = arith.constant 0 : i32
        %dma_wait3A_473 = arith.constant 0 : i32
        %dma_wait3A_474 = tpu.memref_slice %arg6[%and3A_352, %dma_wait3A_471, %dma_wait3A_472, %dma_wait3A_473] : memref<4x4x16x256xf32, #tpu.memory_space<vmem>> -> memref<1x4x16x128xf32, #tpu.memory_space<vmem>>
        %dma_wait3A_475 = tpu.memref_squeeze %dma_wait3A_474 : memref<1x4x16x128xf32, #tpu.memory_space<vmem>> -> memref<4x16x128xf32, #tpu.memory_space<vmem>>
        %dma_wait3A_476 = arith.constant 0 : i32
        %dma_wait3A_477 = arith.constant 0 : i32
        %dma_wait3A_478 = tpu.memref_slice %arg2[%add3A_355, %mul3A_357, %dma_wait3A_476, %dma_wait3A_477] : memref<128x16x16x768xf32, #tpu.memory_space<hbm>> -> memref<1x4x16x128xf32, #tpu.memory_space<hbm>>
        %dma_wait3A_479 = tpu.memref_squeeze %dma_wait3A_478 : memref<1x4x16x128xf32, #tpu.memory_space<hbm>> -> memref<4x16x128xf32, #tpu.memory_space<hbm>>
        tpu.wait_dma2 semaphore(%dma_wait3A_470 : memref<!tpu.dma_semaphore, #tpu.memory_space<semaphore_mem>>) src(%dma_wait3A_479 : memref<4x16x128xf32, #tpu.memory_space<hbm>>) dst(%dma_wait3A_475 : memref<4x16x128xf32, #tpu.memory_space<vmem>>)
      } else {
      }
      %gt3A_427 = arith.constant 32 : i32
      %gt3A_428 = arith.cmpi sgt, %multiple_of3A_421, %gt3A_427 : i32
      %convert_element_type3A_429 = arith.extui %gt3A_428 : i1 to i32
      %cond3A_430 = arith.constant 0 : i32
      %cond3A_431 = arith.cmpi ne, %convert_element_type3A_429, %cond3A_430 : i32
      scf.if %cond3A_431 {
        %dma_wait3A_460 = arith.constant 0 : i32
        %dma_wait3A_461 = arith.constant 0 : i32
        %dma_wait3A_462 = arith.constant 0 : i32
        %dma_wait3A_463 = tpu.memref_slice %arg6[%and3A_352, %dma_wait3A_460, %dma_wait3A_461, %dma_wait3A_462] : memref<4x4x16x256xf32, #tpu.memory_space<vmem>> -> memref<1x4x16x256xf32, #tpu.memory_space<vmem>>
        %dma_wait3A_464 = tpu.memref_squeeze %dma_wait3A_463 : memref<1x4x16x256xf32, #tpu.memory_space<vmem>> -> memref<4x16x256xf32, #tpu.memory_space<vmem>>
        %dma_wait3A_465 = arith.constant 0 : i32
        %dma_wait3A_466 = arith.constant 0 : i32
        %dma_wait3A_467 = tpu.memref_slice %arg2[%add3A_355, %mul3A_357, %dma_wait3A_465, %dma_wait3A_466] : memref<128x16x16x768xf32, #tpu.memory_space<hbm>> -> memref<1x4x16x256xf32, #tpu.memory_space<hbm>>
        %dma_wait3A_468 = tpu.memref_squeeze %dma_wait3A_467 : memref<1x4x16x256xf32, #tpu.memory_space<hbm>> -> memref<4x16x256xf32, #tpu.memory_space<hbm>>
        %dma_wait3A_469 = tpu.memref_slice %arg8[%and3A_352] : memref<4x!tpu.dma_semaphore, #tpu.memory_space<semaphore_mem>> -> memref<1x!tpu.dma_semaphore, #tpu.memory_space<semaphore_mem>>
        %dma_wait3A_470 = tpu.memref_squeeze %dma_wait3A_469 : memref<1x!tpu.dma_semaphore, #tpu.memory_space<semaphore_mem>> -> memref<!tpu.dma_semaphore, #tpu.memory_space<semaphore_mem>>
        %dma_wait3A_471 = arith.constant 0 : i32
        %dma_wait3A_472 = arith.constant 0 : i32
        %dma_wait3A_473 = arith.constant 0 : i32
        %dma_wait3A_474 = tpu.memref_slice %arg6[%and3A_352, %dma_wait3A_471, %dma_wait3A_472, %dma_wait3A_473] : memref<4x4x16x256xf32, #tpu.memory_space<vmem>> -> memref<1x4x16x256xf32, #tpu.memory_space<vmem>>
        %dma_wait3A_475 = tpu.memref_squeeze %dma_wait3A_474 : memref<1x4x16x256xf32, #tpu.memory_space<vmem>> -> memref<4x16x256xf32, #tpu.memory_space<vmem>>
        %dma_wait3A_476 = arith.constant 0 : i32
        %dma_wait3A_477 = arith.constant 0 : i32
        %dma_wait3A_478 = tpu.memref_slice %arg2[%add3A_355, %mul3A_357, %dma_wait3A_476, %dma_wait3A_477] : memref<128x16x16x768xf32, #tpu.memory_space<hbm>> -> memref<1x4x16x256xf32, #tpu.memory_space<hbm>>
        %dma_wait3A_479 = tpu.memref_squeeze %dma_wait3A_478 : memref<1x4x16x256xf32, #tpu.memory_space<hbm>> -> memref<4x16x256xf32, #tpu.memory_space<hbm>>
        tpu.wait_dma2 semaphore(%dma_wait3A_470 : memref<!tpu.dma_semaphore, #tpu.memory_space<semaphore_mem>>) src(%dma_wait3A_479 : memref<4x16x256xf32, #tpu.memory_space<hbm>>) dst(%dma_wait3A_475 : memref<4x16x256xf32, #tpu.memory_space<vmem>>)
      } else {
      }
      %add3A_432 = arith.constant 3 : i32
      %add3A_433 = arith.addi %scan3A_349, %add3A_432 : i32
      %lt3A = arith.constant 16 : i32
      %lt3A_434 = arith.cmpi slt, %add3A_433, %lt3A : i32
      %convert_element_type3A_435 = arith.extui %lt3A_434 : i1 to i32
      %cond3A_436 = arith.constant 0 : i32
      %cond3A_437 = arith.cmpi ne, %convert_element_type3A_435, %cond3A_436 : i32
      scf.if %cond3A_437 {
        %ge3A = arith.constant 1 : i32
        %ge3A_460 = arith.cmpi sge, %scan3A_349, %ge3A : i32
        %convert_element_type3A_461 = arith.extui %ge3A_460 : i1 to i32
        %cond3A_462 = arith.constant 0 : i32
        %cond3A_463 = arith.cmpi ne, %convert_element_type3A_461, %cond3A_462 : i32
        scf.if %cond3A_463 {
          %sub3A_546 = arith.constant 1 : i32
          %sub3A_547 = arith.subi %scan3A_349, %sub3A_546 : i32
          %and3A_548 = arith.constant 3 : i32
          %and3A_549 = arith.andi %sub3A_547, %and3A_548 : i32
          %dma_wait3A_550 = arith.constant 0 : i32
          %dma_wait3A_551 = arith.constant 0 : i32
          %dma_wait3A_552 = arith.constant 0 : i32
          %dma_wait3A_553 = tpu.memref_slice %arg7[%and3A_549, %dma_wait3A_550, %dma_wait3A_551, %dma_wait3A_552] : memref<4x4x16x96xf32, #tpu.memory_space<vmem>> -> memref<1x4x16x96xf32, #tpu.memory_space<vmem>>
          %dma_wait3A_554 = tpu.memref_squeeze %dma_wait3A_553 : memref<1x4x16x96xf32, #tpu.memory_space<vmem>> -> memref<4x16x96xf32, #tpu.memory_space<vmem>>
          %dma_wait3A_555 = arith.constant 0 : i32
          %dma_wait3A_556 = arith.constant 0 : i32
          %dma_wait3A_557 = arith.constant 0 : i32
          %dma_wait3A_558 = tpu.memref_slice %arg4[%mul3A_2, %dma_wait3A_555, %dma_wait3A_556, %dma_wait3A_557] : memref<128x16x16x96xf32, #tpu.memory_space<hbm>> -> memref<1x4x16x96xf32, #tpu.memory_space<hbm>>
          %dma_wait3A_559 = tpu.memref_squeeze %dma_wait3A_558 : memref<1x4x16x96xf32, #tpu.memory_space<hbm>> -> memref<4x16x96xf32, #tpu.memory_space<hbm>>
          %dma_wait3A_560 = tpu.memref_slice %arg9[%and3A_549] : memref<4x!tpu.dma_semaphore, #tpu.memory_space<semaphore_mem>> -> memref<1x!tpu.dma_semaphore, #tpu.memory_space<semaphore_mem>>
          %dma_wait3A_561 = tpu.memref_squeeze %dma_wait3A_560 : memref<1x!tpu.dma_semaphore, #tpu.memory_space<semaphore_mem>> -> memref<!tpu.dma_semaphore, #tpu.memory_space<semaphore_mem>>
          %dma_wait3A_562 = arith.constant 0 : i32
          %dma_wait3A_563 = arith.constant 0 : i32
          %dma_wait3A_564 = arith.constant 0 : i32
          %dma_wait3A_565 = tpu.memref_slice %arg4[%mul3A_2, %dma_wait3A_562, %dma_wait3A_563, %dma_wait3A_564] : memref<128x16x16x96xf32, #tpu.memory_space<hbm>> -> memref<1x4x16x96xf32, #tpu.memory_space<hbm>>
          %dma_wait3A_566 = tpu.memref_squeeze %dma_wait3A_565 : memref<1x4x16x96xf32, #tpu.memory_space<hbm>> -> memref<4x16x96xf32, #tpu.memory_space<hbm>>
          %dma_wait3A_567 = arith.constant 0 : i32
          %dma_wait3A_568 = arith.constant 0 : i32
          %dma_wait3A_569 = arith.constant 0 : i32
          %dma_wait3A_570 = tpu.memref_slice %arg7[%and3A_549, %dma_wait3A_567, %dma_wait3A_568, %dma_wait3A_569] : memref<4x4x16x96xf32, #tpu.memory_space<vmem>> -> memref<1x4x16x96xf32, #tpu.memory_space<vmem>>
          %dma_wait3A_571 = tpu.memref_squeeze %dma_wait3A_570 : memref<1x4x16x96xf32, #tpu.memory_space<vmem>> -> memref<4x16x96xf32, #tpu.memory_space<vmem>>
          tpu.wait_dma2 semaphore(%dma_wait3A_561 : memref<!tpu.dma_semaphore, #tpu.memory_space<semaphore_mem>>) src(%dma_wait3A_571 : memref<4x16x96xf32, #tpu.memory_space<vmem>>) dst(%dma_wait3A_566 : memref<4x16x96xf32, #tpu.memory_space<hbm>>)
        } else {
        }
        %add3A_464 = arith.constant 3 : i32
        %add3A_465 = arith.addi %scan3A_349, %add3A_464 : i32
        %shift_right_logical3A_466 = arith.constant 2 : i32
        %shift_right_logical3A_467 = arith.shrui %add3A_465, %shift_right_logical3A_466 : i32
        %mul3A_468 = arith.constant 16 : i32
        %mul3A_469 = arith.muli %shift_right_logical3A_467, %mul3A_468 : i32
        %add3A_470 = arith.addi %sub3A, %mul3A_469 : i32
        %get3A_471 = arith.index_cast %add3A_470 : i32 to index
        %get3A_472 = tpu.vector_load %arg5[%get3A_471] {strides = array<i32>} : memref<128xf32, #tpu.memory_space<vmem>>, vector<16xf32>,
        %get3A_473 = vector.shape_cast %get3A_472 : vector<16xf32> to vector<16xf32>
        %slice3A_474 = vector.extract_strided_slice %get3A_473 {offsets = [0], sizes = [1], strides = [1]} : vector<16xf32> to vector<1xf32>
        %squeeze3A_475 = vector.extract %slice3A_474[0] : f32 from vector<1xf32>
        %slice3A_476 = vector.extract_strided_slice %get3A_473 {offsets = [1], sizes = [1], strides = [1]} : vector<16xf32> to vector<1xf32>
        %squeeze3A_477 = vector.extract %slice3A_476[0] : f32 from vector<1xf32>
        %gt3A_478 = arith.cmpf ogt, %squeeze3A_477, %squeeze3A_475 : f32
        %jit3A_479 = arith.constant 1 : i32
        %jit3A_480 = arith.constant 0 : i32
        %select_n3A_481 = arith.select %gt3A_478, %jit3A_479, %jit3A_480 : i32
        %select_n3A_482 = arith.select %gt3A_478, %squeeze3A_477, %squeeze3A_475 : f32
        %slice3A_483 = vector.extract_strided_slice %get3A_473 {offsets = [2], sizes = [1], strides = [1]} : vector<16xf32> to vector<1xf32>
        %squeeze3A_484 = vector.extract %slice3A_483[0] : f32 from vector<1xf32>
        %gt3A_485 = arith.cmpf ogt, %squeeze3A_484, %select_n3A_482 : f32
        %jit3A_486 = arith.constant 2 : i32
        %select_n3A_487 = arith.select %gt3A_485, %jit3A_486, %select_n3A_481 : i32
        %select_n3A_488 = arith.select %gt3A_485, %squeeze3A_484, %select_n3A_482 : f32
        %slice3A_489 = vector.extract_strided_slice %get3A_473 {offsets = [3], sizes = [1], strides = [1]} : vector<16xf32> to vector<1xf32>
        %squeeze3A_490 = vector.extract %slice3A_489[0] : f32 from vector<1xf32>
        %gt3A_491 = arith.cmpf ogt, %squeeze3A_490, %select_n3A_488 : f32
        %jit3A_492 = arith.constant 3 : i32
        %select_n3A_493 = arith.select %gt3A_491, %jit3A_492, %select_n3A_487 : i32
        %select_n3A_494 = arith.select %gt3A_491, %squeeze3A_490, %select_n3A_488 : f32
        %slice3A_495 = vector.extract_strided_slice %get3A_473 {offsets = [4], sizes = [1], strides = [1]} : vector<16xf32> to vector<1xf32>
        %squeeze3A_496 = vector.extract %slice3A_495[0] : f32 from vector<1xf32>
        %gt3A_497 = arith.cmpf ogt, %squeeze3A_496, %select_n3A_494 : f32
        %jit3A_498 = arith.constant 4 : i32
        %select_n3A_499 = arith.select %gt3A_497, %jit3A_498, %select_n3A_493 : i32
        %select_n3A_500 = arith.select %gt3A_497, %squeeze3A_496, %select_n3A_494 : f32
        %slice3A_501 = vector.extract_strided_slice %get3A_473 {offsets = [5], sizes = [1], strides = [1]} : vector<16xf32> to vector<1xf32>
        %squeeze3A_502 = vector.extract %slice3A_501[0] : f32 from vector<1xf32>
        %gt3A_503 = arith.cmpf ogt, %squeeze3A_502, %select_n3A_500 : f32
        %jit3A_504 = arith.constant 5 : i32
        %select_n3A_505 = arith.select %gt3A_503, %jit3A_504, %select_n3A_499 : i32
        %select_n3A_506 = arith.select %gt3A_503, %squeeze3A_502, %select_n3A_500 : f32
        %slice3A_507 = vector.extract_strided_slice %get3A_473 {offsets = [6], sizes = [1], strides = [1]} : vector<16xf32> to vector<1xf32>
        %squeeze3A_508 = vector.extract %slice3A_507[0] : f32 from vector<1xf32>
        %gt3A_509 = arith.cmpf ogt, %squeeze3A_508, %select_n3A_506 : f32
        %jit3A_510 = arith.constant 6 : i32
        %select_n3A_511 = arith.select %gt3A_509, %jit3A_510, %select_n3A_505 : i32
        %select_n3A_512 = arith.select %gt3A_509, %squeeze3A_508, %select_n3A_506 : f32
        %slice3A_513 = vector.extract_strided_slice %get3A_473 {offsets = [7], sizes = [1], strides = [1]} : vector<16xf32> to vector<1xf32>
        %squeeze3A_514 = vector.extract %slice3A_513[0] : f32 from vector<1xf32>
        %gt3A_515 = arith.cmpf ogt, %squeeze3A_514, %select_n3A_512 : f32
        %jit3A_516 = arith.constant 7 : i32
        %select_n3A_517 = arith.select %gt3A_515, %jit3A_516, %select_n3A_511 : i32
        %select_n3A_518 = arith.select %gt3A_515, %squeeze3A_514, %select_n3A_512 : f32
        %mul3A_519 = arith.constant 96 : i32
        %mul3A_520 = arith.muli %select_n3A_517, %mul3A_519 : i32
        %shift_right_logical3A_521 = arith.constant 7 : i32
        %shift_right_logical3A_522 = arith.shrui %mul3A_520, %shift_right_logical3A_521 : i32
        %shift_left3A_523 = arith.constant 7 : i32
        %shift_left3A_524 = arith.shli %shift_right_logical3A_522, %shift_left3A_523 : i32
        %multiple_of3A_525 = tpu.assume_multiple %shift_left3A_524, 128 : i32
        %mul3A_526 = arith.constant 96 : i32
        %mul3A_527 = arith.muli %select_n3A_517, %mul3A_526 : i32
        %sub3A_528 = arith.subi %mul3A_527, %multiple_of3A_525 : i32
        %shift_right_logical3A_529 = arith.constant 2 : i32
        %shift_right_logical3A_530 = arith.shrui %add3A_465, %shift_right_logical3A_529 : i32
        %add3A_531 = arith.addi %mul3A_2, %shift_right_logical3A_530 : i32
        %and3A_532 = arith.constant 3 : i32
        %and3A_533 = arith.andi %add3A_465, %and3A_532 : i32
        %mul3A_534 = arith.constant 4 : i32
        %mul3A_535 = arith.muli %and3A_533, %mul3A_534 : i32
        %le3A_536 = arith.constant 32 : i32
        %le3A_537 = arith.cmpi sle, %sub3A_528, %le3A_536 : i32
        %convert_element_type3A_538 = arith.extui %le3A_537 : i1 to i32
        %cond3A_539 = arith.constant 0 : i32
        %cond3A_540 = arith.cmpi ne, %convert_element_type3A_538, %cond3A_539 : i32
        scf.if %cond3A_540 {
          %dma_start3A_546 = arith.constant 0 : i32
          %dma_start3A_547 = arith.constant 0 : i32
          %dma_start3A_548 = arith.constant 0 : i32
          %dma_start3A_549 = tpu.memref_slice %arg6[%and3A_533, %dma_start3A_546, %dma_start3A_547, %dma_start3A_548] : memref<4x4x16x256xf32, #tpu.memory_space<vmem>> -> memref<1x4x16x128xf32, #tpu.memory_space<vmem>>
          %dma_start3A_550 = tpu.memref_squeeze %dma_start3A_549 : memref<1x4x16x128xf32, #tpu.memory_space<vmem>> -> memref<4x16x128xf32, #tpu.memory_space<vmem>>
          %dma_start3A_551 = arith.constant 0 : i32
          %dma_start3A_552 = tpu.memref_slice %arg2[%add3A_531, %mul3A_535, %dma_start3A_551, %multiple_of3A_525] : memref<128x16x16x768xf32, #tpu.memory_space<hbm>> -> memref<1x4x16x128xf32, #tpu.memory_space<hbm>>
          %dma_start3A_553 = tpu.memref_squeeze %dma_start3A_552 : memref<1x4x16x128xf32, #tpu.memory_space<hbm>> -> memref<4x16x128xf32, #tpu.memory_space<hbm>>
          %dma_start3A_554 = tpu.memref_slice %arg8[%and3A_533] : memref<4x!tpu.dma_semaphore, #tpu.memory_space<semaphore_mem>> -> memref<1x!tpu.dma_semaphore, #tpu.memory_space<semaphore_mem>>
          %dma_start3A_555 = tpu.memref_squeeze %dma_start3A_554 : memref<1x!tpu.dma_semaphore, #tpu.memory_space<semaphore_mem>> -> memref<!tpu.dma_semaphore, #tpu.memory_space<semaphore_mem>>
          %dma_start3A_556 = arith.constant 0 : i32
          %dma_start3A_557 = arith.constant 0 : i32
          %dma_start3A_558 = arith.constant 0 : i32
          %dma_start3A_559 = tpu.memref_slice %arg6[%and3A_533, %dma_start3A_556, %dma_start3A_557, %dma_start3A_558] : memref<4x4x16x256xf32, #tpu.memory_space<vmem>> -> memref<1x4x16x128xf32, #tpu.memory_space<vmem>>
          %dma_start3A_560 = tpu.memref_squeeze %dma_start3A_559 : memref<1x4x16x128xf32, #tpu.memory_space<vmem>> -> memref<4x16x128xf32, #tpu.memory_space<vmem>>
          %dma_start3A_561 = arith.constant 0 : i32
          %dma_start3A_562 = tpu.memref_slice %arg2[%add3A_531, %mul3A_535, %dma_start3A_561, %multiple_of3A_525] : memref<128x16x16x768xf32, #tpu.memory_space<hbm>> -> memref<1x4x16x128xf32, #tpu.memory_space<hbm>>
          %dma_start3A_563 = tpu.memref_squeeze %dma_start3A_562 : memref<1x4x16x128xf32, #tpu.memory_space<hbm>> -> memref<4x16x128xf32, #tpu.memory_space<hbm>>
          tpu.enqueue_dma source(%dma_start3A_563 : memref<4x16x128xf32, #tpu.memory_space<hbm>>) target(%dma_start3A_560 : memref<4x16x128xf32, #tpu.memory_space<vmem>>) target_semaphore(%dma_start3A_555 : memref<!tpu.dma_semaphore, #tpu.memory_space<semaphore_mem>>)
        } else {
        }
        %gt3A_541 = arith.constant 32 : i32
        %gt3A_542 = arith.cmpi sgt, %sub3A_528, %gt3A_541 : i32
        %convert_element_type3A_543 = arith.extui %gt3A_542 : i1 to i32
        %cond3A_544 = arith.constant 0 : i32
        %cond3A_545 = arith.cmpi ne, %convert_element_type3A_543, %cond3A_544 : i32
        scf.if %cond3A_545 {
          %dma_start3A_546 = arith.constant 0 : i32
          %dma_start3A_547 = arith.constant 0 : i32
          %dma_start3A_548 = arith.constant 0 : i32
          %dma_start3A_549 = tpu.memref_slice %arg6[%and3A_533, %dma_start3A_546, %dma_start3A_547, %dma_start3A_548] : memref<4x4x16x256xf32, #tpu.memory_space<vmem>> -> memref<1x4x16x256xf32, #tpu.memory_space<vmem>>
          %dma_start3A_550 = tpu.memref_squeeze %dma_start3A_549 : memref<1x4x16x256xf32, #tpu.memory_space<vmem>> -> memref<4x16x256xf32, #tpu.memory_space<vmem>>
          %dma_start3A_551 = arith.constant 0 : i32
          %dma_start3A_552 = tpu.memref_slice %arg2[%add3A_531, %mul3A_535, %dma_start3A_551, %multiple_of3A_525] : memref<128x16x16x768xf32, #tpu.memory_space<hbm>> -> memref<1x4x16x256xf32, #tpu.memory_space<hbm>>
          %dma_start3A_553 = tpu.memref_squeeze %dma_start3A_552 : memref<1x4x16x256xf32, #tpu.memory_space<hbm>> -> memref<4x16x256xf32, #tpu.memory_space<hbm>>
          %dma_start3A_554 = tpu.memref_slice %arg8[%and3A_533] : memref<4x!tpu.dma_semaphore, #tpu.memory_space<semaphore_mem>> -> memref<1x!tpu.dma_semaphore, #tpu.memory_space<semaphore_mem>>
          %dma_start3A_555 = tpu.memref_squeeze %dma_start3A_554 : memref<1x!tpu.dma_semaphore, #tpu.memory_space<semaphore_mem>> -> memref<!tpu.dma_semaphore, #tpu.memory_space<semaphore_mem>>
          %dma_start3A_556 = arith.constant 0 : i32
          %dma_start3A_557 = arith.constant 0 : i32
          %dma_start3A_558 = arith.constant 0 : i32
          %dma_start3A_559 = tpu.memref_slice %arg6[%and3A_533, %dma_start3A_556, %dma_start3A_557, %dma_start3A_558] : memref<4x4x16x256xf32, #tpu.memory_space<vmem>> -> memref<1x4x16x256xf32, #tpu.memory_space<vmem>>
          %dma_start3A_560 = tpu.memref_squeeze %dma_start3A_559 : memref<1x4x16x256xf32, #tpu.memory_space<vmem>> -> memref<4x16x256xf32, #tpu.memory_space<vmem>>
          %dma_start3A_561 = arith.constant 0 : i32
          %dma_start3A_562 = tpu.memref_slice %arg2[%add3A_531, %mul3A_535, %dma_start3A_561, %multiple_of3A_525] : memref<128x16x16x768xf32, #tpu.memory_space<hbm>> -> memref<1x4x16x256xf32, #tpu.memory_space<hbm>>
          %dma_start3A_563 = tpu.memref_squeeze %dma_start3A_562 : memref<1x4x16x256xf32, #tpu.memory_space<hbm>> -> memref<4x16x256xf32, #tpu.memory_space<hbm>>
          tpu.enqueue_dma source(%dma_start3A_563 : memref<4x16x256xf32, #tpu.memory_space<hbm>>) target(%dma_start3A_560 : memref<4x16x256xf32, #tpu.memory_space<vmem>>) target_semaphore(%dma_start3A_555 : memref<!tpu.dma_semaphore, #tpu.memory_space<semaphore_mem>>)
        } else {
        }
      } else {
      }
      %parallel_loop3A = arith.constant 0 : i32
      %parallel_loop3A_438 = arith.constant 64 : i32
      %parallel_loop3A_439 = arith.constant 1 : i32
      scf.for %parallel_loop3A_460 = %parallel_loop3A to %parallel_loop3A_438 step %parallel_loop3A_439  : i32 {
        %parallel_loop3A_461 = arith.constant 4 : i32
        %parallel_loop3A_462 = arith.shrui %parallel_loop3A_460, %parallel_loop3A_461 : i32
        %parallel_loop3A_463 = arith.constant 15 : i32
        %parallel_loop3A_464 = arith.andi %parallel_loop3A_460, %parallel_loop3A_463 : i32
        %parallel_loop3A_465 = arith.constant 0 : i32
        %parallel_loop3A_466 = arith.addi %multiple_of3A_421, %parallel_loop3A_465 : i32
        %parallel_loop3A_467 = arith.constant 0 : i32
        %parallel_loop3A_468 = arith.constant 0 : i32
        %parallel_loop3A_469 = arith.constant 0 : i32
        %parallel_loop3A_470 = tpu.memref_slice %arg6[%and3A_352, %parallel_loop3A_467, %parallel_loop3A_468, %parallel_loop3A_469] : memref<4x4x16x256xf32, #tpu.memory_space<vmem>> -> memref<1x4x16x256xf32, #tpu.memory_space<vmem>>
        %parallel_loop3A_471 = tpu.memref_squeeze %parallel_loop3A_470 : memref<1x4x16x256xf32, #tpu.memory_space<vmem>> -> memref<4x16x256xf32, #tpu.memory_space<vmem>>
        %parallel_loop3A_472 = arith.index_cast %parallel_loop3A_462 : i32 to index
        %parallel_loop3A_473 = arith.index_cast %parallel_loop3A_464 : i32 to index
        %parallel_loop3A_474 = arith.index_cast %parallel_loop3A_466 : i32 to index
        %parallel_loop3A_475 = tpu.vector_load %parallel_loop3A_471[%parallel_loop3A_472, %parallel_loop3A_473, %parallel_loop3A_474] {strides = array<i32>} : memref<4x16x256xf32, #tpu.memory_space<vmem>>, vector<1x1x16xf32>,
        %parallel_loop3A_476 = vector.shape_cast %parallel_loop3A_475 : vector<1x1x16xf32> to vector<16xf32>
        %parallel_loop3A_477 = arith.constant 0 : i32
        %parallel_loop3A_478 = arith.constant 0 : i32
        %parallel_loop3A_479 = arith.constant 0 : i32
        %parallel_loop3A_480 = tpu.memref_slice %arg7[%and3A_352, %parallel_loop3A_477, %parallel_loop3A_478, %parallel_loop3A_479] : memref<4x4x16x96xf32, #tpu.memory_space<vmem>> -> memref<1x4x16x96xf32, #tpu.memory_space<vmem>>
        %parallel_loop3A_481 = tpu.memref_squeeze %parallel_loop3A_480 : memref<1x4x16x96xf32, #tpu.memory_space<vmem>> -> memref<4x16x96xf32, #tpu.memory_space<vmem>>
        %parallel_loop3A_482 = arith.index_cast %parallel_loop3A_462 : i32 to index
        %parallel_loop3A_483 = arith.index_cast %parallel_loop3A_464 : i32 to index
        %parallel_loop3A_484 = arith.constant 0 : index
        %parallel_loop3A_485 = tpu.vector_load %parallel_loop3A_481[%parallel_loop3A_482, %parallel_loop3A_483, %parallel_loop3A_484] {strides = array<i32>} : memref<4x16x96xf32, #tpu.memory_space<vmem>>, vector<1x1x16xf32>,
        %parallel_loop3A_486 = vector.shape_cast %parallel_loop3A_485 : vector<1x1x16xf32> to vector<16xf32>
        %parallel_loop3A_487 = vector.shape_cast %parallel_loop3A_476 : vector<16xf32> to vector<1x1x16xf32>
        tpu.vector_store %parallel_loop3A_481[%parallel_loop3A_482, %parallel_loop3A_483, %parallel_loop3A_484], %parallel_loop3A_487 {strides = array<i32>} : memref<4x16x96xf32, #tpu.memory_space<vmem>>, vector<1x1x16xf32>,
        %parallel_loop3A_488 = arith.constant 16 : i32
        %parallel_loop3A_489 = arith.addi %multiple_of3A_421, %parallel_loop3A_488 : i32
        %parallel_loop3A_490 = arith.constant 0 : i32
        %parallel_loop3A_491 = arith.constant 0 : i32
        %parallel_loop3A_492 = arith.constant 0 : i32
        %parallel_loop3A_493 = tpu.memref_slice %arg6[%and3A_352, %parallel_loop3A_490, %parallel_loop3A_491, %parallel_loop3A_492] : memref<4x4x16x256xf32, #tpu.memory_space<vmem>> -> memref<1x4x16x256xf32, #tpu.memory_space<vmem>>
        %parallel_loop3A_494 = tpu.memref_squeeze %parallel_loop3A_493 : memref<1x4x16x256xf32, #tpu.memory_space<vmem>> -> memref<4x16x256xf32, #tpu.memory_space<vmem>>
        %parallel_loop3A_495 = arith.index_cast %parallel_loop3A_462 : i32 to index
        %parallel_loop3A_496 = arith.index_cast %parallel_loop3A_464 : i32 to index
        %parallel_loop3A_497 = arith.index_cast %parallel_loop3A_489 : i32 to index
        %parallel_loop3A_498 = tpu.vector_load %parallel_loop3A_494[%parallel_loop3A_495, %parallel_loop3A_496, %parallel_loop3A_497] {strides = array<i32>} : memref<4x16x256xf32, #tpu.memory_space<vmem>>, vector<1x1x16xf32>,
        %parallel_loop3A_499 = vector.shape_cast %parallel_loop3A_498 : vector<1x1x16xf32> to vector<16xf32>
        %parallel_loop3A_500 = arith.constant 0 : i32
        %parallel_loop3A_501 = arith.constant 0 : i32
        %parallel_loop3A_502 = arith.constant 0 : i32
        %parallel_loop3A_503 = tpu.memref_slice %arg7[%and3A_352, %parallel_loop3A_500, %parallel_loop3A_501, %parallel_loop3A_502] : memref<4x4x16x96xf32, #tpu.memory_space<vmem>> -> memref<1x4x16x96xf32, #tpu.memory_space<vmem>>
        %parallel_loop3A_504 = tpu.memref_squeeze %parallel_loop3A_503 : memref<1x4x16x96xf32, #tpu.memory_space<vmem>> -> memref<4x16x96xf32, #tpu.memory_space<vmem>>
        %parallel_loop3A_505 = arith.index_cast %parallel_loop3A_462 : i32 to index
        %parallel_loop3A_506 = arith.index_cast %parallel_loop3A_464 : i32 to index
        %parallel_loop3A_507 = arith.constant 16 : index
        %parallel_loop3A_508 = tpu.vector_load %parallel_loop3A_504[%parallel_loop3A_505, %parallel_loop3A_506, %parallel_loop3A_507] {strides = array<i32>} : memref<4x16x96xf32, #tpu.memory_space<vmem>>, vector<1x1x16xf32>,
        %parallel_loop3A_509 = vector.shape_cast %parallel_loop3A_508 : vector<1x1x16xf32> to vector<16xf32>
        %parallel_loop3A_510 = vector.shape_cast %parallel_loop3A_499 : vector<16xf32> to vector<1x1x16xf32>
        tpu.vector_store %parallel_loop3A_504[%parallel_loop3A_505, %parallel_loop3A_506, %parallel_loop3A_507], %parallel_loop3A_510 {strides = array<i32>} : memref<4x16x96xf32, #tpu.memory_space<vmem>>, vector<1x1x16xf32>,
        %parallel_loop3A_511 = arith.constant 32 : i32
        %parallel_loop3A_512 = arith.addi %multiple_of3A_421, %parallel_loop3A_511 : i32
        %parallel_loop3A_513 = arith.constant 0 : i32
        %parallel_loop3A_514 = arith.constant 0 : i32
        %parallel_loop3A_515 = arith.constant 0 : i32
        %parallel_loop3A_516 = tpu.memref_slice %arg6[%and3A_352, %parallel_loop3A_513, %parallel_loop3A_514, %parallel_loop3A_515] : memref<4x4x16x256xf32, #tpu.memory_space<vmem>> -> memref<1x4x16x256xf32, #tpu.memory_space<vmem>>
        %parallel_loop3A_517 = tpu.memref_squeeze %parallel_loop3A_516 : memref<1x4x16x256xf32, #tpu.memory_space<vmem>> -> memref<4x16x256xf32, #tpu.memory_space<vmem>>
        %parallel_loop3A_518 = arith.index_cast %parallel_loop3A_462 : i32 to index
        %parallel_loop3A_519 = arith.index_cast %parallel_loop3A_464 : i32 to index
        %parallel_loop3A_520 = arith.index_cast %parallel_loop3A_512 : i32 to index
        %parallel_loop3A_521 = tpu.vector_load %parallel_loop3A_517[%parallel_loop3A_518, %parallel_loop3A_519, %parallel_loop3A_520] {strides = array<i32>} : memref<4x16x256xf32, #tpu.memory_space<vmem>>, vector<1x1x16xf32>,
        %parallel_loop3A_522 = vector.shape_cast %parallel_loop3A_521 : vector<1x1x16xf32> to vector<16xf32>
        %parallel_loop3A_523 = arith.constant 0 : i32
        %parallel_loop3A_524 = arith.constant 0 : i32
        %parallel_loop3A_525 = arith.constant 0 : i32
        %parallel_loop3A_526 = tpu.memref_slice %arg7[%and3A_352, %parallel_loop3A_523, %parallel_loop3A_524, %parallel_loop3A_525] : memref<4x4x16x96xf32, #tpu.memory_space<vmem>> -> memref<1x4x16x96xf32, #tpu.memory_space<vmem>>
        %parallel_loop3A_527 = tpu.memref_squeeze %parallel_loop3A_526 : memref<1x4x16x96xf32, #tpu.memory_space<vmem>> -> memref<4x16x96xf32, #tpu.memory_space<vmem>>
        %parallel_loop3A_528 = arith.index_cast %parallel_loop3A_462 : i32 to index
        %parallel_loop3A_529 = arith.index_cast %parallel_loop3A_464 : i32 to index
        %parallel_loop3A_530 = arith.constant 32 : index
        %parallel_loop3A_531 = tpu.vector_load %parallel_loop3A_527[%parallel_loop3A_528, %parallel_loop3A_529, %parallel_loop3A_530] {strides = array<i32>} : memref<4x16x96xf32, #tpu.memory_space<vmem>>, vector<1x1x16xf32>,
        %parallel_loop3A_532 = vector.shape_cast %parallel_loop3A_531 : vector<1x1x16xf32> to vector<16xf32>
        %parallel_loop3A_533 = vector.shape_cast %parallel_loop3A_522 : vector<16xf32> to vector<1x1x16xf32>
        tpu.vector_store %parallel_loop3A_527[%parallel_loop3A_528, %parallel_loop3A_529, %parallel_loop3A_530], %parallel_loop3A_533 {strides = array<i32>} : memref<4x16x96xf32, #tpu.memory_space<vmem>>, vector<1x1x16xf32>,
        %parallel_loop3A_534 = arith.constant 48 : i32
        %parallel_loop3A_535 = arith.addi %multiple_of3A_421, %parallel_loop3A_534 : i32
        %parallel_loop3A_536 = arith.constant 0 : i32
        %parallel_loop3A_537 = arith.constant 0 : i32
        %parallel_loop3A_538 = arith.constant 0 : i32
        %parallel_loop3A_539 = tpu.memref_slice %arg6[%and3A_352, %parallel_loop3A_536, %parallel_loop3A_537, %parallel_loop3A_538] : memref<4x4x16x256xf32, #tpu.memory_space<vmem>> -> memref<1x4x16x256xf32, #tpu.memory_space<vmem>>
        %parallel_loop3A_540 = tpu.memref_squeeze %parallel_loop3A_539 : memref<1x4x16x256xf32, #tpu.memory_space<vmem>> -> memref<4x16x256xf32, #tpu.memory_space<vmem>>
        %parallel_loop3A_541 = arith.index_cast %parallel_loop3A_462 : i32 to index
        %parallel_loop3A_542 = arith.index_cast %parallel_loop3A_464 : i32 to index
        %parallel_loop3A_543 = arith.index_cast %parallel_loop3A_535 : i32 to index
        %parallel_loop3A_544 = tpu.vector_load %parallel_loop3A_540[%parallel_loop3A_541, %parallel_loop3A_542, %parallel_loop3A_543] {strides = array<i32>} : memref<4x16x256xf32, #tpu.memory_space<vmem>>, vector<1x1x16xf32>,
        %parallel_loop3A_545 = vector.shape_cast %parallel_loop3A_544 : vector<1x1x16xf32> to vector<16xf32>
        %parallel_loop3A_546 = arith.constant 0 : i32
        %parallel_loop3A_547 = arith.constant 0 : i32
        %parallel_loop3A_548 = arith.constant 0 : i32
        %parallel_loop3A_549 = tpu.memref_slice %arg7[%and3A_352, %parallel_loop3A_546, %parallel_loop3A_547, %parallel_loop3A_548] : memref<4x4x16x96xf32, #tpu.memory_space<vmem>> -> memref<1x4x16x96xf32, #tpu.memory_space<vmem>>
        %parallel_loop3A_550 = tpu.memref_squeeze %parallel_loop3A_549 : memref<1x4x16x96xf32, #tpu.memory_space<vmem>> -> memref<4x16x96xf32, #tpu.memory_space<vmem>>
        %parallel_loop3A_551 = arith.index_cast %parallel_loop3A_462 : i32 to index
        %parallel_loop3A_552 = arith.index_cast %parallel_loop3A_464 : i32 to index
        %parallel_loop3A_553 = arith.constant 48 : index
        %parallel_loop3A_554 = tpu.vector_load %parallel_loop3A_550[%parallel_loop3A_551, %parallel_loop3A_552, %parallel_loop3A_553] {strides = array<i32>} : memref<4x16x96xf32, #tpu.memory_space<vmem>>, vector<1x1x16xf32>,
        %parallel_loop3A_555 = vector.shape_cast %parallel_loop3A_554 : vector<1x1x16xf32> to vector<16xf32>
        %parallel_loop3A_556 = vector.shape_cast %parallel_loop3A_545 : vector<16xf32> to vector<1x1x16xf32>
        tpu.vector_store %parallel_loop3A_550[%parallel_loop3A_551, %parallel_loop3A_552, %parallel_loop3A_553], %parallel_loop3A_556 {strides = array<i32>} : memref<4x16x96xf32, #tpu.memory_space<vmem>>, vector<1x1x16xf32>,
        %parallel_loop3A_557 = arith.constant 64 : i32
        %parallel_loop3A_558 = arith.addi %multiple_of3A_421, %parallel_loop3A_557 : i32
        %parallel_loop3A_559 = arith.constant 0 : i32
        %parallel_loop3A_560 = arith.constant 0 : i32
        %parallel_loop3A_561 = arith.constant 0 : i32
        %parallel_loop3A_562 = tpu.memref_slice %arg6[%and3A_352, %parallel_loop3A_559, %parallel_loop3A_560, %parallel_loop3A_561] : memref<4x4x16x256xf32, #tpu.memory_space<vmem>> -> memref<1x4x16x256xf32, #tpu.memory_space<vmem>>
        %parallel_loop3A_563 = tpu.memref_squeeze %parallel_loop3A_562 : memref<1x4x16x256xf32, #tpu.memory_space<vmem>> -> memref<4x16x256xf32, #tpu.memory_space<vmem>>
        %parallel_loop3A_564 = arith.index_cast %parallel_loop3A_462 : i32 to index
        %parallel_loop3A_565 = arith.index_cast %parallel_loop3A_464 : i32 to index
        %parallel_loop3A_566 = arith.index_cast %parallel_loop3A_558 : i32 to index
        %parallel_loop3A_567 = tpu.vector_load %parallel_loop3A_563[%parallel_loop3A_564, %parallel_loop3A_565, %parallel_loop3A_566] {strides = array<i32>} : memref<4x16x256xf32, #tpu.memory_space<vmem>>, vector<1x1x16xf32>,
        %parallel_loop3A_568 = vector.shape_cast %parallel_loop3A_567 : vector<1x1x16xf32> to vector<16xf32>
        %parallel_loop3A_569 = arith.constant 0 : i32
        %parallel_loop3A_570 = arith.constant 0 : i32
        %parallel_loop3A_571 = arith.constant 0 : i32
        %parallel_loop3A_572 = tpu.memref_slice %arg7[%and3A_352, %parallel_loop3A_569, %parallel_loop3A_570, %parallel_loop3A_571] : memref<4x4x16x96xf32, #tpu.memory_space<vmem>> -> memref<1x4x16x96xf32, #tpu.memory_space<vmem>>
        %parallel_loop3A_573 = tpu.memref_squeeze %parallel_loop3A_572 : memref<1x4x16x96xf32, #tpu.memory_space<vmem>> -> memref<4x16x96xf32, #tpu.memory_space<vmem>>
        %parallel_loop3A_574 = arith.index_cast %parallel_loop3A_462 : i32 to index
        %parallel_loop3A_575 = arith.index_cast %parallel_loop3A_464 : i32 to index
        %parallel_loop3A_576 = arith.constant 64 : index
        %parallel_loop3A_577 = tpu.vector_load %parallel_loop3A_573[%parallel_loop3A_574, %parallel_loop3A_575, %parallel_loop3A_576] {strides = array<i32>} : memref<4x16x96xf32, #tpu.memory_space<vmem>>, vector<1x1x16xf32>,
        %parallel_loop3A_578 = vector.shape_cast %parallel_loop3A_577 : vector<1x1x16xf32> to vector<16xf32>
        %parallel_loop3A_579 = vector.shape_cast %parallel_loop3A_568 : vector<16xf32> to vector<1x1x16xf32>
        tpu.vector_store %parallel_loop3A_573[%parallel_loop3A_574, %parallel_loop3A_575, %parallel_loop3A_576], %parallel_loop3A_579 {strides = array<i32>} : memref<4x16x96xf32, #tpu.memory_space<vmem>>, vector<1x1x16xf32>,
        %parallel_loop3A_580 = arith.constant 80 : i32
        %parallel_loop3A_581 = arith.addi %multiple_of3A_421, %parallel_loop3A_580 : i32
        %parallel_loop3A_582 = arith.constant 0 : i32
        %parallel_loop3A_583 = arith.constant 0 : i32
        %parallel_loop3A_584 = arith.constant 0 : i32
        %parallel_loop3A_585 = tpu.memref_slice %arg6[%and3A_352, %parallel_loop3A_582, %parallel_loop3A_583, %parallel_loop3A_584] : memref<4x4x16x256xf32, #tpu.memory_space<vmem>> -> memref<1x4x16x256xf32, #tpu.memory_space<vmem>>
        %parallel_loop3A_586 = tpu.memref_squeeze %parallel_loop3A_585 : memref<1x4x16x256xf32, #tpu.memory_space<vmem>> -> memref<4x16x256xf32, #tpu.memory_space<vmem>>
        %parallel_loop3A_587 = arith.index_cast %parallel_loop3A_462 : i32 to index
        %parallel_loop3A_588 = arith.index_cast %parallel_loop3A_464 : i32 to index
        %parallel_loop3A_589 = arith.index_cast %parallel_loop3A_581 : i32 to index
        %parallel_loop3A_590 = tpu.vector_load %parallel_loop3A_586[%parallel_loop3A_587, %parallel_loop3A_588, %parallel_loop3A_589] {strides = array<i32>} : memref<4x16x256xf32, #tpu.memory_space<vmem>>, vector<1x1x16xf32>,
        %parallel_loop3A_591 = vector.shape_cast %parallel_loop3A_590 : vector<1x1x16xf32> to vector<16xf32>
        %parallel_loop3A_592 = arith.constant 0 : i32
        %parallel_loop3A_593 = arith.constant 0 : i32
        %parallel_loop3A_594 = arith.constant 0 : i32
        %parallel_loop3A_595 = tpu.memref_slice %arg7[%and3A_352, %parallel_loop3A_592, %parallel_loop3A_593, %parallel_loop3A_594] : memref<4x4x16x96xf32, #tpu.memory_space<vmem>> -> memref<1x4x16x96xf32, #tpu.memory_space<vmem>>
        %parallel_loop3A_596 = tpu.memref_squeeze %parallel_loop3A_595 : memref<1x4x16x96xf32, #tpu.memory_space<vmem>> -> memref<4x16x96xf32, #tpu.memory_space<vmem>>
        %parallel_loop3A_597 = arith.index_cast %parallel_loop3A_462 : i32 to index
        %parallel_loop3A_598 = arith.index_cast %parallel_loop3A_464 : i32 to index
        %parallel_loop3A_599 = arith.constant 80 : index
        %parallel_loop3A_600 = tpu.vector_load %parallel_loop3A_596[%parallel_loop3A_597, %parallel_loop3A_598, %parallel_loop3A_599] {strides = array<i32>} : memref<4x16x96xf32, #tpu.memory_space<vmem>>, vector<1x1x16xf32>,
        %parallel_loop3A_601 = vector.shape_cast %parallel_loop3A_600 : vector<1x1x16xf32> to vector<16xf32>
        %parallel_loop3A_602 = vector.shape_cast %parallel_loop3A_591 : vector<16xf32> to vector<1x1x16xf32>
        tpu.vector_store %parallel_loop3A_596[%parallel_loop3A_597, %parallel_loop3A_598, %parallel_loop3A_599], %parallel_loop3A_602 {strides = array<i32>} : memref<4x16x96xf32, #tpu.memory_space<vmem>>, vector<1x1x16xf32>,
      } {sc.loop_unroll_factor = 2 : i64, sc.parallel_access}
      %dma_start3A = arith.constant 0 : i32
      %dma_start3A_440 = arith.constant 0 : i32
      %dma_start3A_441 = arith.constant 0 : i32
      %dma_start3A_442 = tpu.memref_slice %arg7[%and3A_352, %dma_start3A, %dma_start3A_440, %dma_start3A_441] : memref<4x4x16x96xf32, #tpu.memory_space<vmem>> -> memref<1x4x16x96xf32, #tpu.memory_space<vmem>>
      %dma_start3A_443 = tpu.memref_squeeze %dma_start3A_442 : memref<1x4x16x96xf32, #tpu.memory_space<vmem>> -> memref<4x16x96xf32, #tpu.memory_space<vmem>>
      %dma_start3A_444 = arith.constant 0 : i32
      %dma_start3A_445 = arith.constant 0 : i32
      %dma_start3A_446 = tpu.memref_slice %arg4[%add3A_355, %mul3A_357, %dma_start3A_444, %dma_start3A_445] : memref<128x16x16x96xf32, #tpu.memory_space<hbm>> -> memref<1x4x16x96xf32, #tpu.memory_space<hbm>>
      %dma_start3A_447 = tpu.memref_squeeze %dma_start3A_446 : memref<1x4x16x96xf32, #tpu.memory_space<hbm>> -> memref<4x16x96xf32, #tpu.memory_space<hbm>>
      %dma_start3A_448 = tpu.memref_slice %arg9[%and3A_352] : memref<4x!tpu.dma_semaphore, #tpu.memory_space<semaphore_mem>> -> memref<1x!tpu.dma_semaphore, #tpu.memory_space<semaphore_mem>>
      %dma_start3A_449 = tpu.memref_squeeze %dma_start3A_448 : memref<1x!tpu.dma_semaphore, #tpu.memory_space<semaphore_mem>> -> memref<!tpu.dma_semaphore, #tpu.memory_space<semaphore_mem>>
      %dma_start3A_450 = arith.constant 0 : i32
      %dma_start3A_451 = arith.constant 0 : i32
      %dma_start3A_452 = tpu.memref_slice %arg4[%add3A_355, %mul3A_357, %dma_start3A_450, %dma_start3A_451] : memref<128x16x16x96xf32, #tpu.memory_space<hbm>> -> memref<1x4x16x96xf32, #tpu.memory_space<hbm>>
      %dma_start3A_453 = tpu.memref_squeeze %dma_start3A_452 : memref<1x4x16x96xf32, #tpu.memory_space<hbm>> -> memref<4x16x96xf32, #tpu.memory_space<hbm>>
      %dma_start3A_454 = arith.constant 0 : i32
      %dma_start3A_455 = arith.constant 0 : i32
      %dma_start3A_456 = arith.constant 0 : i32
      %dma_start3A_457 = tpu.memref_slice %arg7[%and3A_352, %dma_start3A_454, %dma_start3A_455, %dma_start3A_456] : memref<4x4x16x96xf32, #tpu.memory_space<vmem>> -> memref<1x4x16x96xf32, #tpu.memory_space<vmem>>
      %dma_start3A_458 = tpu.memref_squeeze %dma_start3A_457 : memref<1x4x16x96xf32, #tpu.memory_space<vmem>> -> memref<4x16x96xf32, #tpu.memory_space<vmem>>
      tpu.enqueue_dma source(%dma_start3A_458 : memref<4x16x96xf32, #tpu.memory_space<vmem>>) target(%dma_start3A_453 : memref<4x16x96xf32, #tpu.memory_space<hbm>>) target_semaphore(%dma_start3A_449 : memref<!tpu.dma_semaphore, #tpu.memory_space<semaphore_mem>>)
      %scan3A_459 = arith.constant 0 : i32
      scf.yield %scan3A_459 : i32
    }
    %scan3A_253 = arith.constant 16 : i32
    %dma_wait3A = arith.constant 0 : i32
    %dma_wait3A_254 = arith.constant 0 : i32
    %dma_wait3A_255 = arith.constant 0 : i32
    %dma_wait3A_256 = arith.constant 0 : i32
    %dma_wait3A_257 = arith.constant 0 : i32
    %dma_wait3A_258 = tpu.memref_slice %arg7[%dma_wait3A, %dma_wait3A_255, %dma_wait3A_256, %dma_wait3A_257] : memref<4x4x16x96xf32, #tpu.memory_space<vmem>> -> memref<1x4x16x96xf32, #tpu.memory_space<vmem>>
    %dma_wait3A_259 = tpu.memref_squeeze %dma_wait3A_258 : memref<1x4x16x96xf32, #tpu.memory_space<vmem>> -> memref<4x16x96xf32, #tpu.memory_space<vmem>>
    %dma_wait3A_260 = arith.constant 0 : i32
    %dma_wait3A_261 = arith.constant 0 : i32
    %dma_wait3A_262 = arith.constant 0 : i32
    %dma_wait3A_263 = tpu.memref_slice %arg4[%mul3A_2, %dma_wait3A_260, %dma_wait3A_261, %dma_wait3A_262] : memref<128x16x16x96xf32, #tpu.memory_space<hbm>> -> memref<1x4x16x96xf32, #tpu.memory_space<hbm>>
    %dma_wait3A_264 = tpu.memref_squeeze %dma_wait3A_263 : memref<1x4x16x96xf32, #tpu.memory_space<hbm>> -> memref<4x16x96xf32, #tpu.memory_space<hbm>>
    %dma_wait3A_265 = tpu.memref_slice %arg9[%dma_wait3A_254] : memref<4x!tpu.dma_semaphore, #tpu.memory_space<semaphore_mem>> -> memref<1x!tpu.dma_semaphore, #tpu.memory_space<semaphore_mem>>
    %dma_wait3A_266 = tpu.memref_squeeze %dma_wait3A_265 : memref<1x!tpu.dma_semaphore, #tpu.memory_space<semaphore_mem>> -> memref<!tpu.dma_semaphore, #tpu.memory_space<semaphore_mem>>
    %dma_wait3A_267 = arith.constant 0 : i32
    %dma_wait3A_268 = arith.constant 0 : i32
    %dma_wait3A_269 = arith.constant 0 : i32
    %dma_wait3A_270 = tpu.memref_slice %arg4[%mul3A_2, %dma_wait3A_267, %dma_wait3A_268, %dma_wait3A_269] : memref<128x16x16x96xf32, #tpu.memory_space<hbm>> -> memref<1x4x16x96xf32, #tpu.memory_space<hbm>>
    %dma_wait3A_271 = tpu.memref_squeeze %dma_wait3A_270 : memref<1x4x16x96xf32, #tpu.memory_space<hbm>> -> memref<4x16x96xf32, #tpu.memory_space<hbm>>
    %dma_wait3A_272 = arith.constant 0 : i32
    %dma_wait3A_273 = arith.constant 0 : i32
    %dma_wait3A_274 = arith.constant 0 : i32
    %dma_wait3A_275 = tpu.memref_slice %arg7[%dma_wait3A, %dma_wait3A_272, %dma_wait3A_273, %dma_wait3A_274] : memref<4x4x16x96xf32, #tpu.memory_space<vmem>> -> memref<1x4x16x96xf32, #tpu.memory_space<vmem>>
    %dma_wait3A_276 = tpu.memref_squeeze %dma_wait3A_275 : memref<1x4x16x96xf32, #tpu.memory_space<vmem>> -> memref<4x16x96xf32, #tpu.memory_space<vmem>>
    tpu.wait_dma2 semaphore(%dma_wait3A_266 : memref<!tpu.dma_semaphore, #tpu.memory_space<semaphore_mem>>) src(%dma_wait3A_276 : memref<4x16x96xf32, #tpu.memory_space<vmem>>) dst(%dma_wait3A_271 : memref<4x16x96xf32, #tpu.memory_space<hbm>>)
    %dma_wait3A_277 = arith.constant 1 : i32
    %dma_wait3A_278 = arith.constant 1 : i32
    %dma_wait3A_279 = arith.constant 0 : i32
    %dma_wait3A_280 = arith.constant 0 : i32
    %dma_wait3A_281 = arith.constant 0 : i32
    %dma_wait3A_282 = tpu.memref_slice %arg7[%dma_wait3A_277, %dma_wait3A_279, %dma_wait3A_280, %dma_wait3A_281] : memref<4x4x16x96xf32, #tpu.memory_space<vmem>> -> memref<1x4x16x96xf32, #tpu.memory_space<vmem>>
    %dma_wait3A_283 = tpu.memref_squeeze %dma_wait3A_282 : memref<1x4x16x96xf32, #tpu.memory_space<vmem>> -> memref<4x16x96xf32, #tpu.memory_space<vmem>>
    %dma_wait3A_284 = arith.constant 0 : i32
    %dma_wait3A_285 = arith.constant 0 : i32
    %dma_wait3A_286 = arith.constant 0 : i32
    %dma_wait3A_287 = tpu.memref_slice %arg4[%mul3A_2, %dma_wait3A_284, %dma_wait3A_285, %dma_wait3A_286] : memref<128x16x16x96xf32, #tpu.memory_space<hbm>> -> memref<1x4x16x96xf32, #tpu.memory_space<hbm>>
    %dma_wait3A_288 = tpu.memref_squeeze %dma_wait3A_287 : memref<1x4x16x96xf32, #tpu.memory_space<hbm>> -> memref<4x16x96xf32, #tpu.memory_space<hbm>>
    %dma_wait3A_289 = tpu.memref_slice %arg9[%dma_wait3A_278] : memref<4x!tpu.dma_semaphore, #tpu.memory_space<semaphore_mem>> -> memref<1x!tpu.dma_semaphore, #tpu.memory_space<semaphore_mem>>
    %dma_wait3A_290 = tpu.memref_squeeze %dma_wait3A_289 : memref<1x!tpu.dma_semaphore, #tpu.memory_space<semaphore_mem>> -> memref<!tpu.dma_semaphore, #tpu.memory_space<semaphore_mem>>
    %dma_wait3A_291 = arith.constant 0 : i32
    %dma_wait3A_292 = arith.constant 0 : i32
    %dma_wait3A_293 = arith.constant 0 : i32
    %dma_wait3A_294 = tpu.memref_slice %arg4[%mul3A_2, %dma_wait3A_291, %dma_wait3A_292, %dma_wait3A_293] : memref<128x16x16x96xf32, #tpu.memory_space<hbm>> -> memref<1x4x16x96xf32, #tpu.memory_space<hbm>>
    %dma_wait3A_295 = tpu.memref_squeeze %dma_wait3A_294 : memref<1x4x16x96xf32, #tpu.memory_space<hbm>> -> memref<4x16x96xf32, #tpu.memory_space<hbm>>
    %dma_wait3A_296 = arith.constant 0 : i32
    %dma_wait3A_297 = arith.constant 0 : i32
    %dma_wait3A_298 = arith.constant 0 : i32
    %dma_wait3A_299 = tpu.memref_slice %arg7[%dma_wait3A_277, %dma_wait3A_296, %dma_wait3A_297, %dma_wait3A_298] : memref<4x4x16x96xf32, #tpu.memory_space<vmem>> -> memref<1x4x16x96xf32, #tpu.memory_space<vmem>>
    %dma_wait3A_300 = tpu.memref_squeeze %dma_wait3A_299 : memref<1x4x16x96xf32, #tpu.memory_space<vmem>> -> memref<4x16x96xf32, #tpu.memory_space<vmem>>
    tpu.wait_dma2 semaphore(%dma_wait3A_290 : memref<!tpu.dma_semaphore, #tpu.memory_space<semaphore_mem>>) src(%dma_wait3A_300 : memref<4x16x96xf32, #tpu.memory_space<vmem>>) dst(%dma_wait3A_295 : memref<4x16x96xf32, #tpu.memory_space<hbm>>)
    %dma_wait3A_301 = arith.constant 2 : i32
    %dma_wait3A_302 = arith.constant 2 : i32
    %dma_wait3A_303 = arith.constant 0 : i32
    %dma_wait3A_304 = arith.constant 0 : i32
    %dma_wait3A_305 = arith.constant 0 : i32
    %dma_wait3A_306 = tpu.memref_slice %arg7[%dma_wait3A_301, %dma_wait3A_303, %dma_wait3A_304, %dma_wait3A_305] : memref<4x4x16x96xf32, #tpu.memory_space<vmem>> -> memref<1x4x16x96xf32, #tpu.memory_space<vmem>>
    %dma_wait3A_307 = tpu.memref_squeeze %dma_wait3A_306 : memref<1x4x16x96xf32, #tpu.memory_space<vmem>> -> memref<4x16x96xf32, #tpu.memory_space<vmem>>
    %dma_wait3A_308 = arith.constant 0 : i32
    %dma_wait3A_309 = arith.constant 0 : i32
    %dma_wait3A_310 = arith.constant 0 : i32
    %dma_wait3A_311 = tpu.memref_slice %arg4[%mul3A_2, %dma_wait3A_308, %dma_wait3A_309, %dma_wait3A_310] : memref<128x16x16x96xf32, #tpu.memory_space<hbm>> -> memref<1x4x16x96xf32, #tpu.memory_space<hbm>>
    %dma_wait3A_312 = tpu.memref_squeeze %dma_wait3A_311 : memref<1x4x16x96xf32, #tpu.memory_space<hbm>> -> memref<4x16x96xf32, #tpu.memory_space<hbm>>
    %dma_wait3A_313 = tpu.memref_slice %arg9[%dma_wait3A_302] : memref<4x!tpu.dma_semaphore, #tpu.memory_space<semaphore_mem>> -> memref<1x!tpu.dma_semaphore, #tpu.memory_space<semaphore_mem>>
    %dma_wait3A_314 = tpu.memref_squeeze %dma_wait3A_313 : memref<1x!tpu.dma_semaphore, #tpu.memory_space<semaphore_mem>> -> memref<!tpu.dma_semaphore, #tpu.memory_space<semaphore_mem>>
    %dma_wait3A_315 = arith.constant 0 : i32
    %dma_wait3A_316 = arith.constant 0 : i32
    %dma_wait3A_317 = arith.constant 0 : i32
    %dma_wait3A_318 = tpu.memref_slice %arg4[%mul3A_2, %dma_wait3A_315, %dma_wait3A_316, %dma_wait3A_317] : memref<128x16x16x96xf32, #tpu.memory_space<hbm>> -> memref<1x4x16x96xf32, #tpu.memory_space<hbm>>
    %dma_wait3A_319 = tpu.memref_squeeze %dma_wait3A_318 : memref<1x4x16x96xf32, #tpu.memory_space<hbm>> -> memref<4x16x96xf32, #tpu.memory_space<hbm>>
    %dma_wait3A_320 = arith.constant 0 : i32
    %dma_wait3A_321 = arith.constant 0 : i32
    %dma_wait3A_322 = arith.constant 0 : i32
    %dma_wait3A_323 = tpu.memref_slice %arg7[%dma_wait3A_301, %dma_wait3A_320, %dma_wait3A_321, %dma_wait3A_322] : memref<4x4x16x96xf32, #tpu.memory_space<vmem>> -> memref<1x4x16x96xf32, #tpu.memory_space<vmem>>
    %dma_wait3A_324 = tpu.memref_squeeze %dma_wait3A_323 : memref<1x4x16x96xf32, #tpu.memory_space<vmem>> -> memref<4x16x96xf32, #tpu.memory_space<vmem>>
    tpu.wait_dma2 semaphore(%dma_wait3A_314 : memref<!tpu.dma_semaphore, #tpu.memory_space<semaphore_mem>>) src(%dma_wait3A_324 : memref<4x16x96xf32, #tpu.memory_space<vmem>>) dst(%dma_wait3A_319 : memref<4x16x96xf32, #tpu.memory_space<hbm>>)
    %dma_wait3A_325 = arith.constant 3 : i32
    %dma_wait3A_326 = arith.constant 3 : i32
    %dma_wait3A_327 = arith.constant 0 : i32
    %dma_wait3A_328 = arith.constant 0 : i32
    %dma_wait3A_329 = arith.constant 0 : i32
    %dma_wait3A_330 = tpu.memref_slice %arg7[%dma_wait3A_325, %dma_wait3A_327, %dma_wait3A_328, %dma_wait3A_329] : memref<4x4x16x96xf32, #tpu.memory_space<vmem>> -> memref<1x4x16x96xf32, #tpu.memory_space<vmem>>
    %dma_wait3A_331 = tpu.memref_squeeze %dma_wait3A_330 : memref<1x4x16x96xf32, #tpu.memory_space<vmem>> -> memref<4x16x96xf32, #tpu.memory_space<vmem>>
    %dma_wait3A_332 = arith.constant 0 : i32
    %dma_wait3A_333 = arith.constant 0 : i32
    %dma_wait3A_334 = arith.constant 0 : i32
    %dma_wait3A_335 = tpu.memref_slice %arg4[%mul3A_2, %dma_wait3A_332, %dma_wait3A_333, %dma_wait3A_334] : memref<128x16x16x96xf32, #tpu.memory_space<hbm>> -> memref<1x4x16x96xf32, #tpu.memory_space<hbm>>
    %dma_wait3A_336 = tpu.memref_squeeze %dma_wait3A_335 : memref<1x4x16x96xf32, #tpu.memory_space<hbm>> -> memref<4x16x96xf32, #tpu.memory_space<hbm>>
    %dma_wait3A_337 = tpu.memref_slice %arg9[%dma_wait3A_326] : memref<4x!tpu.dma_semaphore, #tpu.memory_space<semaphore_mem>> -> memref<1x!tpu.dma_semaphore, #tpu.memory_space<semaphore_mem>>
    %dma_wait3A_338 = tpu.memref_squeeze %dma_wait3A_337 : memref<1x!tpu.dma_semaphore, #tpu.memory_space<semaphore_mem>> -> memref<!tpu.dma_semaphore, #tpu.memory_space<semaphore_mem>>
    %dma_wait3A_339 = arith.constant 0 : i32
    %dma_wait3A_340 = arith.constant 0 : i32
    %dma_wait3A_341 = arith.constant 0 : i32
    %dma_wait3A_342 = tpu.memref_slice %arg4[%mul3A_2, %dma_wait3A_339, %dma_wait3A_340, %dma_wait3A_341] : memref<128x16x16x96xf32, #tpu.memory_space<hbm>> -> memref<1x4x16x96xf32, #tpu.memory_space<hbm>>
    %dma_wait3A_343 = tpu.memref_squeeze %dma_wait3A_342 : memref<1x4x16x96xf32, #tpu.memory_space<hbm>> -> memref<4x16x96xf32, #tpu.memory_space<hbm>>
    %dma_wait3A_344 = arith.constant 0 : i32
    %dma_wait3A_345 = arith.constant 0 : i32
    %dma_wait3A_346 = arith.constant 0 : i32
    %dma_wait3A_347 = tpu.memref_slice %arg7[%dma_wait3A_325, %dma_wait3A_344, %dma_wait3A_345, %dma_wait3A_346] : memref<4x4x16x96xf32, #tpu.memory_space<vmem>> -> memref<1x4x16x96xf32, #tpu.memory_space<vmem>>
    %dma_wait3A_348 = tpu.memref_squeeze %dma_wait3A_347 : memref<1x4x16x96xf32, #tpu.memory_space<vmem>> -> memref<4x16x96xf32, #tpu.memory_space<vmem>>
    tpu.wait_dma2 semaphore(%dma_wait3A_338 : memref<!tpu.dma_semaphore, #tpu.memory_space<semaphore_mem>>) src(%dma_wait3A_348 : memref<4x16x96xf32, #tpu.memory_space<vmem>>) dst(%dma_wait3A_343 : memref<4x16x96xf32, #tpu.memory_space<hbm>>)
    return
  }
}

</mosaic_0001>

<sc_bundles>
// kernel: kernel.3.cloned.1.call-start
scs
__scs_entry_jumppad:
0x0: {  	(pc) =	sbr.rel $0x88, $3  }
0x1: {  	(tag) =	ssettag $0x0;
	lr =	simm.s32 $0x1  }
0x2: {  	[smem:$0x3F9F] =	sst lr;
	_ =	strace $0xD0000000  }
0x3: {  	_ = 	snop  }
0x4: {  	_ = 	snop  }
0x5: {  	_ = 	snop  }
0x6: {  	_ = 	snop  }
0x7: {  	_ = 	snop  }
__scs_overlays_trampoline_lowered:
0x8: {  	[smem:$0x3FAE] =	sst s0  }
0x9: {  	[smem:$0x3FAF] =	sst s1  }
0xa: {  	[smem:$0x3FB0] =	sst s2  }
0xb: {  	[smem:$0x3FB1] =	sst s3  }
0xc: {  	[smem:$0x3FB2] =	sst s4  }
0xd: {  	[smem:$0x3FB3] =	sst s5  }
0xe: {  	[smem:$0x3FB4] =	sst s6  }
0xf: {  	[smem:$0x3FB5] =	sst s7  }
0x10: {  	[smem:$0x3FB6] =	sst s8  }
0x11: {  	[smem:$0x3FB7] =	sst s9;
	s0 =	simm.s32 @!p0 $0x0  }
0x12: {  	s1 =	sld [smem:$0x3F9D];
	s0 =	simm.s32 @p0 $0x1  }
0x13: {  	[smem:$0x3FB8] =	sst s0;
	s0 =	simm.s32 @!p1 $0x0  }
0x14: {  	s2 =	sld [smem:$0x3F9C];
	s0 =	simm.s32 @p1 $0x1  }
0x15: {  	[smem:$0x3FB9] =	sst s0;
	s0 =	simm.s32 @!p2 $0x0  }
0x16: {  	s3 =	sld [smem:$0x3FDB];
	s0 =	simm.s32 @p2 $0x1  }
0x17: {  	s4 =	simm.s32 $0x1BF5;
	[smem:$0x3FBB] =	sst s0  }
0x18: {  	s0 =	sld [smem:$0x3F9E];
	_ =	swait.ge [sflag:s4], $0x0  }
0x19: {  	s7 =	sld [smem:$0x3F9F]  }
0x1a: {  	s8 =	sadd.s32 $0xFFFFE003, lr  }
0x1b: {  	s9 =	sadd.s32 $0xFFFFFEF7, lr;
	s5 =	simm.s32 $0xFFFFFFFF;
	p2 =	slt.u32 s8, $0xFFFFF086  }
0x1c: {  	p1 =	slt.u32 s9, $0xF7A;
	s5 =	simm.s32 @!p2 $0x0  }
0x1d: {  	s5 =	simm.s32 @p1 $0x1;
	p0 =	seq.s32 s7, s2  }
0x1e: {  	s7 =	smul.u32 @!p0 $0xF7A, s2;
	p2 =	seq.s32 @!p0 s5, $0x0  }
0x1f: {  	s9 =	smul.u32 $0xF7A, s1;
	s8 =	simm.s32 @!p0 $0x1BF5;
	p2 =	por !p2, p0  }
0x20: {  	[sflag:s8] =	ssyncset.s32 @!p0 $0xFFFFF086;
	s6 =	sadd.s32 @!p0 s3, s7;
	s7 =	simm.s32 @!p0 $0x108  }
0x21: {  	s3 =	sadd.s32 s3, s9;
	s6 =	sadd.s32 @!p0 $0x88, s6;
	s7 =	simm.s32 @p2 $0x1082  }
0x22: {  	[simem:s7], [sflag:s8] =	dma.local @!p0 [hbm:s6], $0xF7A  }
0x23: {  	s9 =	sor.u32 $0xD0000000, s2;
	s6 =	simm.s32 $0x108;
	_ =	swait.ge @!p0 [sflag:s8], $0x0  }
0x24: {  	s3 =	sadd.s32 $0x88, s3;
	s6 =	simm.s32 @!p1 $0x1082;
	[sflag:s4] =	ssyncset.s32 $0xFFFFF086  }
0x25: {  	[simem:s6], [sflag:s4] =	dma.local [hbm:s3], $0xF7A  }
0x26: {  	[smem:$0x3F9F] =	sst s1;
	(tag) =	ssettag s2;
	_ =	strace s9  }
0x27: {  	s1 =	sld [smem:$0x3FAF]  }
0x28: {  	s2 =	sld [smem:$0x3FB0]  }
0x29: {  	s4 =	sld [smem:$0x3FB2]  }
0x2a: {  	p0 =	seq.s32 s5, $0x0;
	s5 =	sld [smem:$0x3FB3]  }
0x2b: {  	s6 =	sld [smem:$0x3FB4]  }
0x2c: {  	s7 =	sld [smem:$0x3FB5]  }
0x2d: {  	s3 =	simm.s32 $0x108;
	s8 =	sld [smem:$0x3FB6]  }
0x2e: {  	s3 =	simm.s32 @!p0 $0x1082;
	s9 =	sld [smem:$0x3FB7]  }
0x2f: {  	lr =	sadd.s32 s0, s3;
	s0 =	sld [smem:$0x3FAE]  }
0x30: {  	s3 =	sld [smem:$0x3FB1]  }
0x31: {  	[smem:$0x3FBA] =	sst s10  }
0x32: {  	s10 =	sld [smem:$0x3FB8];
	_ =	sdelay $0x3  }
0x33: {  	p0 =	seq.s32 s10, $0x1;
	s10 =	sld [smem:$0x3FBA];
	_ =	sdelay $0x3  }
0x34: {  	[smem:$0x3FBA] =	sst s10  }
0x35: {  	s10 =	sld [smem:$0x3FB9];
	_ =	sdelay $0x3  }
0x36: {  	p1 =	seq.s32 s10, $0x1;
	s10 =	sld [smem:$0x3FBA];
	_ =	sdelay $0x3  }
0x37: {  	[smem:$0x3FBA] =	sst s10  }
0x38: {  	s10 =	sld [smem:$0x3FBB]  }
0x39: {  	_ = 	snop;
	(pc) =	sbr.ind lr, $3  }
0x3a: {  	_ = 	snop  }
0x3b: {  	_ = 	snop  }
0x3c: {  	p2 =	seq.s32 s10, $0x1;
	s10 =	sld [smem:$0x3FBA]  }
0x3d: {  	_ =	shalt  }
0x3e: {  	_ =	shalt  }
0x3f: {  	_ =	shalt  }
0x40: {  	_ =	shalt  }
0x41: {  	_ =	shalt  }
0x42: {  	_ =	shalt  }
0x43: {  	_ =	shalt  }
0x44: {  	_ =	shalt  }
0x45: {  	_ =	shalt  }
0x46: {  	_ =	shalt  }
0x47: {  	_ =	shalt  }
0x48: {  	_ =	shalt  }
0x49: {  	_ =	shalt  }
0x4a: {  	_ =	shalt  }
0x4b: {  	_ =	shalt  }
0x4c: {  	_ =	shalt  }
0x4d: {  	_ =	shalt  }
0x4e: {  	_ =	shalt  }
0x4f: {  	_ =	shalt  }
0x50: {  	_ =	shalt  }
0x51: {  	_ =	shalt  }
0x52: {  	_ =	shalt  }
0x53: {  	_ =	shalt  }
0x54: {  	_ =	shalt  }
0x55: {  	_ =	shalt  }
0x56: {  	_ =	shalt  }
0x57: {  	_ =	shalt  }
0x58: {  	_ =	shalt  }
0x59: {  	_ =	shalt  }
0x5a: {  	_ =	shalt  }
0x5b: {  	_ =	shalt  }
0x5c: {  	_ =	shalt  }
0x5d: {  	_ =	shalt  }
0x5e: {  	_ =	shalt  }
0x5f: {  	_ =	shalt  }
0x60: {  	_ =	shalt  }
0x61: {  	_ =	shalt  }
0x62: {  	_ =	shalt  }
0x63: {  	_ =	shalt  }
0x64: {  	_ =	shalt  }
0x65: {  	_ =	shalt  }
0x66: {  	_ =	shalt  }
0x67: {  	_ =	shalt  }
0x68: {  	_ =	shalt  }
0x69: {  	_ =	shalt  }
0x6a: {  	_ =	shalt  }
0x6b: {  	_ =	shalt  }
0x6c: {  	_ =	shalt  }
0x6d: {  	_ =	shalt  }
0x6e: {  	_ =	shalt  }
0x6f: {  	_ =	shalt  }
0x70: {  	_ =	shalt  }
0x71: {  	_ =	shalt  }
0x72: {  	_ =	shalt  }
0x73: {  	_ =	shalt  }
0x74: {  	_ =	shalt  }
0x75: {  	_ =	shalt  }
0x76: {  	_ =	shalt  }
0x77: {  	_ =	shalt  }
0x78: {  	_ =	shalt  }
0x79: {  	_ =	shalt  }
0x7a: {  	_ =	shalt  }
0x7b: {  	_ =	shalt  }
0x7c: {  	_ =	shalt  }
0x7d: {  	_ =	shalt  }
0x7e: {  	_ =	shalt  }
0x7f: {  	_ =	shalt  }
0x80: {  	_ =	shalt  }
0x81: {  	_ =	shalt  }
0x82: {  	_ =	shalt  }
0x83: {  	_ =	shalt  }
0x84: {  	_ =	shalt  }
0x85: {  	_ =	shalt  }
0x86: {  	_ =	shalt  }
0x87: {  	_ =	shalt  }
.Lfunc_end0:
.L_simem_size_0:
called_computation_lowered:
.L_overlay_start_0:
0x88: {  	s2 =	sld [smem:$0x3FD9]  }
0x89: {  	s3 =	sld [smem:$0x3FFE];
	_ =	sdelay $0x1  }
0x8a: {  	s1 =	srdreg.scid  }
0x8b: {  	s0 =	sand.u32 $0x1, s1  }
0x8c: {  	s17 =	sshll.u32 s0, $0xA;
	s2 =	sadd.s32 s3, s2  }
0x8d: {  	s2 =	sadd.s32 s2, s17  }
0x8e: {  	[smem:$0x3FC6] =	sst s2  }
0x8f: {  	_ = 	snop  }
0x90: {  	s2 =	sld [smem:$0x3FC9]  }
0x91: {  	s18 =	sld [smem:$0x3FD0];
	(tm) =	ssettm $0x1  }
0x92: {  	s4 =	sld [smem:$0x3FFB];
	_ =	sdelay $0x3  }
0x93: {  	_ =	strace s4  }
0x94: {  	s4 =	sld [smem:$0x3FFC];
	_ =	sdelay $0x3  }
0x95: {  	_ =	strace s4  }
0x96: {  	s4 =	sld [smem:$0x3FFD];
	_ =	sdelay $0x3  }
0x97: {  	_ =	strace s4  }
0x98: {  	_ =	strace $0x8FFFFFFF  }
0x99: {  	s19 =	sld [smem:$0x3FDB];
	_ =	sdelay $0x1  }
0x9a: {  	s5 =	simm.s32 $_scs_section_size  }
0x9b: {  	s6 =	simm.s32 $_size__tile_overlayer_lowered;
	s7 =	simm.s32 $_tile_overlayer_lowered  }
0x9c: {  	s22 =	simm.s32 $0x1BFF;
	s21 =	sshll.u32 s7, $0x1;
	s4 =	sadd.s32 s5, s19  }
0x9d: {  	s8 =	simm.s32 $0x0;
	s20 =	sshll.u32 s6, $0x1;
	s6 =	sadd.s32 s21, s4  }
0x9e: {  	[timem:s8], [sflag:s22] =	dma.local [hbm:s6], s20  }
0x9f: {  	_ =	swait.ge [sflag:s22], s20  }
0xa0: {  	s5 =	ssub.s32 $0x0, s20;
	[sflag:s22] =	ssyncset.done $0x0  }
0xa1: {  	[sflag:s22] =	ssyncadd.s32 s5;
	_ =	sdelay $0x1  }
0xa2: {  	s23 =	simm.s32 $0x1B8B  }
0xa3: {  	_ =	swait.ge [sflag:s23], $0x1  }
0xa4: {  	[sflag:s23] =	ssyncset.done $0x0  }
0xa5: {  	s25 =	simm.s32 $0x1B8E;
	s24 =	sld [smem:$0x3FFE];
	[sflag:s23] =	ssyncadd.s32 $0xFFFFFFFF  }
0xa6: {  	s26 =	simm.s32 $execute0_lowered;
	[smem:$0x3FD2] =	sst s25  }
0xa7: {  	s6 =	sshll.u32 s26, $0x1;
	_ =	strace $0x80000046;
	[dreg:$0x1] =	wrdreg $0xFFFFFFFF  }
0xa8: {  	s28 =	simm.s32 $_size_execute0_lowered;
	s4 =	sadd.s32 s4, s6;
	[dreg:$0x0] =	wrdreg $0x0  }
0xa9: {  	s6 =	sshll.u32 s28, $0x1;
	[dreg:$0x2] =	wrdreg s4  }
0xaa: {  	[dreg:$0x3] =	wrdreg s6  }
0xab: {  	[dreg:$0x4] =	wrdreg $0xC0  }
0xac: {  	_ =	task [dreg:s8], $0x5FFFF  }
0xad: {  	[dreg:$0x1] =	wrdreg $0xFFFFFFFF  }
0xae: {  	[dreg:$0x0] =	wrdreg $0x60  }
0xaf: {  	[dreg:$0x2] =	wrdreg s2  }
0xb0: {  	[dreg:$0x3] =	wrdreg s18  }
0xb1: {  	[dreg:$0x4] =	wrdreg s24  }
0xb2: {  	[dreg:$0x5] =	wrdreg $0x9  }
0xb3: {  	_ =	task.clear_ibuf [dreg:s8], $0x6FFFF;
	_ =	strace $0x90000046  }
0xb4: {  	s29 =	simm.s32 $0x9;
	_ =	strace $0x80000048  }
0xb5: {  	_ =	swait.ge [sflag:s29], $0x1  }
0xb6: {  	[sflag:s29] =	ssyncadd.s32 $0xFFFFFFFF  }
0xb7: {  	_ =	strace $0x90000048  }
0xb8: {  	_ =	sfence  }
0xb9: {  	s30 =	sld [smem:$0x0];
	_ =	sdelay $0x2  }
0xba: {  	s31 =	sshll.u32 s1, $0xD;
	s1 =	sshrl.u32 s1, $0x2  }
0xbb: {  	s3 =	sand.u32 $0x4000, s31;
	s1 =	sadd.s32 s1, s30  }
0xbc: {  	s0 =	sor.u32 s3, s0;
	s1 =	sshll.u32 s1, $0x11  }
0xbd: {  	s0 =	sor.u32 s1, s0  }
0xbe: {  	s0 =	sadd.s32 $0x8F2B, s0  }
0xbf: {  	[sflag:s0] =	ssyncadd.remote.s32 $0x1  }
0xc0: {  	_ =	sfence.sel $0xFFFF  }
0xc1: {  	[dreg:$0x0] =	wrdreg $0xFFFFFFFF;
	(pc) =	sbr.abs _section_cstart, $3  }
0xc2: {  	[dreg:$0x1] =	wrdreg $0xFFFFFFFF  }
0xc3: {  	_ =	task.clear_ibuf [dreg:s8], $0x2FFFF;
	_ =	strace $0x9FFFFFFF  }
0xc4: {  	(tm) =	ssettm $0x7FFFFFFF  }
0xc5: {  	_ =	shalt  }
tec
execute0_lowered:
.L_overlay_start_1:
0x0: {  	(tag) =	ssettag $0x1  }
0x1: {  	s0 =	rddreg [dreg:$0x1]  }
0x2: {  	s2 =	rddreg [dreg:$0x2];
	s1 =	simm.s32 $0x0;
	s4 =	srdreg.scid  }
0x3: {  	s25 =	stileid.u32;
	[smem:$0x7FF] =	sst s1;
	s5 =	sand.u32 $0x1, s4  }
0x4: {  	s7 =	sshll.u32 s25, $0x1;
	s2 =	sadd.s32 $0x400, s2;
	s8 =	sshll.u32 s25, $0x4  }
0x5: {  	_ =	strace $0x80000047;
	[dreg:$0x7] =	wrdreg s2;
	s0 =	sadd.s32 s0, s8  }
0x6: {  	s7 =	sor.u32 s5, s7;
	s29 =	sshll.u32 s5, $0x6;
	[dreg:$0xa] =	wrdreg s0  }
0x7: {  	s28 =	smul.u32 $0xC0000, s7;
	s3 =	sshll.u32 s7, $0x2;
	[dreg:$0xb] =	wrdreg s29  }
0x8: {  	s6 =	ssub.s32 $0x2, s5;
	[dreg:$0x9] =	wrdreg s3  }
0x9: {  	s26 =	sshrl.u32 s6, $0x1;
	s30 =	sor.u32 $0xC000, s28;
	[dreg:$0x8] =	wrdreg s28  }
0xa: {  	s2 =	ssub.s32 s6, s26;
	s1 =	sor.u32 $0x18000, s28;
	[dreg:$0xc] =	wrdreg s30  }
0xb: {  	s31 =	smax.u32 s2, $0x1;
	[dreg:$0xd] =	wrdreg s1  }
0xc: {  	v0 =	vmov s29;
	s2 =	simm.s32 $0x0;
	[dreg:$0xe] =	wrdreg s31  }
.LBB2_1:
0xd: {  	[dreg:$0xf] =	wrdreg s2  }
0xe: {  	s0 =	simm.s32 $0x0;
	s1 =	rddreg [dreg:$0xa];
	s17 =	simm.s32 $0x9  }
0xf: {  	[tilespmem:s0], [sflag:$0x9] =	stream.linear.gather [hbm4b:s1+s0], $0x80, $0x38;
	[tilespmem:$0x18080] =	vst v63  }
0x10: {  	_ =	swait.ge [sflag:s17], $0x80  }
0x11: {  	[sflag:s17] =	ssyncset.done $0x0  }
0x12: {  	s3 =	rddreg [dreg:$0xb];
	[sflag:s17] =	ssyncadd.s32 $0xFFFFFF80  }
0x13: {  	v1 =	vld [tilespmem:s3+$0x0];
	_ =	sdelay $0x4  }
0x14: {  	(v2sf) =	vpush v1, $0x0  }
0x15: {  	(v2sf) =	vpush v1, $0x1;
	_ =	sdelay $0x2  }
0x16: {  	(v2sf) =	vpush v1, $0x2;
	_ =	sdelay $0x2  }
0x17: {  	(v2sf) =	vpush v1, $0x3;
	_ =	sdelay $0x2  }
0x18: {  	(v2sf) =	vpush v1, $0x4;
	_ =	sdelay $0x2  }
0x19: {  	(v2sf) =	vpush v1, $0x5;
	_ =	sdelay $0x1  }
0x1a: {  	s0 =	spop (v2sf)  }
0x1b: {  	s2 =	spop (v2sf);
	(v2sf) =	vpush v1, $0x6  }
0x1c: {  	p0 =	sgt.f32 s2, s0;
	_ =	sdelay $0x1  }
0x1d: {  	s0 =	smov.u32 @p0 s2;
	s2 =	spop (v2sf);
	(v2sf) =	vpush v1, $0x7  }
0x1e: {  	p1 =	sgt.f32 s2, s0;
	_ =	sdelay $0x1  }
0x1f: {  	s0 =	smov.u32 @p1 s2;
	s2 =	spop (v2sf)  }
0x20: {  	p2 =	sgt.f32 s2, s0;
	_ =	sdelay $0x1  }
0x21: {  	s0 =	smov.u32 @p2 s2;
	s2 =	spop (v2sf)  }
0x22: {  	p3 =	sgt.f32 s2, s0;
	_ =	sdelay $0x1  }
0x23: {  	s0 =	smov.u32 @p3 s2;
	s2 =	spop (v2sf)  }
0x24: {  	p4 =	sgt.f32 s2, s0  }
0x25: {  	s5 =	simm.s32 $0x60  }
0x26: {  	s5 =	simm.s32 @!p0 $0x0;
	s0 =	smov.u32 @p4 s2;
	s2 =	spop (v2sf)  }
0x27: {  	s5 =	simm.s32 @p1 $0xC0;
	p5 =	sgt.f32 s2, s0  }
0x28: {  	s5 =	simm.s32 @p2 $0x120  }
0x29: {  	s5 =	simm.s32 @p3 $0x180;
	s0 =	smov.u32 @p5 s2;
	s18 =	spop (v2sf)  }
0x2a: {  	s5 =	simm.s32 @p4 $0x1E0;
	p0 =	sgt.f32 s18, s0  }
0x2b: {  	s5 =	simm.s32 @p5 $0x240  }
0x2c: {  	s5 =	simm.s32 @p0 $0x2A0  }
0x2d: {  	s19 =	sshll.u32 s5, $0x3  }
0x2e: {  	s20 =	rddreg [dreg:$0x8];
	s21 =	sand.u32 $0x7F, s5;
	s0 =	sand.u32 $0x7FFFFC00, s19  }
0x2f: {  	p0 =	sgt.u32 s21, $0x20;
	s0 =	sadd.s32 s20, s0  }
0x30: {  	s22 =	rddreg [dreg:$0x0];
	s2 =	simm.s32 @p0 $0x800;
	s0 =	sshrl.u32 s0, $0x3  }
0x31: {  	s5 =	simm.s32 @p0 $0x1800;
	s7 =	simm.s32 @p0 $0x80;
	s0 =	sadd.s32 s22, s0  }
0x32: {  	[tilespmem:s7], [sflag:$0x1] =	stream.strided.gather @p0 [hbm4b:s0+s2], $0x4000, s5, s2, $0x38;
	[tilespmem:$0x18080] =	vst v63  }
0x33: {  	s2 =	simm.s32 @!p0 $0x0;
	s5 =	simm.s32 @!p0 $0x80  }
0x34: {  	[tilespmem:s5], [sflag:$0x1] =	stream.linear.gather @!p0 [hbm4b:s0+s2], $0x400, $0x38;
	[tilespmem:$0x18080] =	vst v63  }
0x35: {  	s7 =	simm.s32 @!p0 $0x880;
	s5 =	sadd.s32 @!p0 $0x300, s0  }
0x36: {  	[tilespmem:s7], [sflag:$0x1] =	stream.linear.gather @!p0 [hbm4b:s5+s2], $0x400, $0x38;
	[tilespmem:$0x18080] =	vst v63  }
0x37: {  	s5 =	sadd.s32 @!p0 $0x600, s0;
	s7 =	simm.s32 @!p0 $0x1080  }
0x38: {  	[tilespmem:s7], [sflag:$0x1] =	stream.linear.gather @!p0 [hbm4b:s5+s2], $0x400, $0x38;
	[tilespmem:$0x18080] =	vst v63  }
0x39: {  	s5 =	sadd.s32 @!p0 $0x900, s0;
	s7 =	simm.s32 @!p0 $0x1880  }
0x3a: {  	[tilespmem:s7], [sflag:$0x1] =	stream.linear.gather @!p0 [hbm4b:s5+s2], $0x400, $0x38;
	[tilespmem:$0x18080] =	vst v63  }
0x3b: {  	s5 =	sadd.s32 @!p0 $0xC00, s0;
	s7 =	simm.s32 @!p0 $0x2080  }
0x3c: {  	[tilespmem:s7], [sflag:$0x1] =	stream.linear.gather @!p0 [hbm4b:s5+s2], $0x400, $0x38;
	[tilespmem:$0x18080] =	vst v63  }
0x3d: {  	s5 =	sadd.s32 @!p0 $0xF00, s0;
	s7 =	simm.s32 @!p0 $0x2880  }
0x3e: {  	[tilespmem:s7], [sflag:$0x1] =	stream.linear.gather @!p0 [hbm4b:s5+s2], $0x400, $0x38;
	[tilespmem:$0x18080] =	vst v63  }
0x3f: {  	s5 =	sadd.s32 @!p0 $0x1200, s0;
	s7 =	simm.s32 @!p0 $0x3080  }
0x40: {  	[tilespmem:s7], [sflag:$0x1] =	stream.linear.gather @!p0 [hbm4b:s5+s2], $0x400, $0x38;
	[tilespmem:$0x18080] =	vst v63  }
0x41: {  	s0 =	sadd.s32 @!p0 $0x1500, s0;
	s5 =	simm.s32 @!p0 $0x3880  }
0x42: {  	[tilespmem:s5], [sflag:$0x1] =	stream.linear.gather @!p0 [hbm4b:s0+s2], $0x400, $0x38;
	[tilespmem:$0x18080] =	vst v63  }
0x43: {  	v1 =	vld [tilespmem:s3+$0x0];
	_ =	sdelay $0x4  }
0x44: {  	(v2sf) =	vpush v1, $0x0  }
0x45: {  	(v2sf) =	vpush v1, $0x1;
	_ =	sdelay $0x2  }
0x46: {  	(v2sf) =	vpush v1, $0x2;
	_ =	sdelay $0x2  }
0x47: {  	(v2sf) =	vpush v1, $0x3;
	_ =	sdelay $0x2  }
0x48: {  	(v2sf) =	vpush v1, $0x4;
	_ =	sdelay $0x2  }
0x49: {  	(v2sf) =	vpush v1, $0x5;
	_ =	sdelay $0x1  }
0x4a: {  	s0 =	spop (v2sf)  }
0x4b: {  	s2 =	spop (v2sf);
	(v2sf) =	vpush v1, $0x6  }
0x4c: {  	p0 =	sgt.f32 s2, s0;
	_ =	sdelay $0x1  }
0x4d: {  	s0 =	smov.u32 @p0 s2;
	s2 =	spop (v2sf);
	(v2sf) =	vpush v1, $0x7  }
0x4e: {  	p1 =	sgt.f32 s2, s0;
	_ =	sdelay $0x1  }
0x4f: {  	s0 =	smov.u32 @p1 s2;
	s2 =	spop (v2sf)  }
0x50: {  	p2 =	sgt.f32 s2, s0;
	_ =	sdelay $0x1  }
0x51: {  	s0 =	smov.u32 @p2 s2;
	s2 =	spop (v2sf)  }
0x52: {  	p3 =	sgt.f32 s2, s0;
	_ =	sdelay $0x1  }
0x53: {  	s0 =	smov.u32 @p3 s2;
	s2 =	spop (v2sf)  }
0x54: {  	p4 =	sgt.f32 s2, s0  }
0x55: {  	s5 =	simm.s32 $0x60  }
0x56: {  	s5 =	simm.s32 @!p0 $0x0;
	s0 =	smov.u32 @p4 s2;
	s2 =	spop (v2sf)  }
0x57: {  	s5 =	simm.s32 @p1 $0xC0;
	p5 =	sgt.f32 s2, s0  }
0x58: {  	s5 =	simm.s32 @p2 $0x120  }
0x59: {  	s5 =	simm.s32 @p3 $0x180;
	s0 =	smov.u32 @p5 s2;
	s23 =	spop (v2sf)  }
0x5a: {  	s5 =	simm.s32 @p4 $0x1E0;
	p0 =	sgt.f32 s23, s0  }
0x5b: {  	s5 =	simm.s32 @p5 $0x240  }
0x5c: {  	s5 =	simm.s32 @p0 $0x2A0  }
0x5d: {  	s24 =	sshll.u32 s5, $0x3  }
0x5e: {  	s25 =	rddreg [dreg:$0xc];
	s26 =	sand.u32 $0x7F, s5;
	s0 =	sand.u32 $0x7FFFFC00, s24  }
0x5f: {  	p0 =	sgt.u32 s26, $0x20;
	s0 =	sadd.s32 s0, s25  }
0x60: {  	s2 =	simm.s32 @p0 $0x800;
	s0 =	sshrl.u32 s0, $0x3  }
0x61: {  	s5 =	simm.s32 @p0 $0x1800;
	s7 =	simm.s32 @p0 $0x4080;
	s0 =	sadd.s32 s22, s0  }
0x62: {  	[tilespmem:s7], [sflag:$0x2] =	stream.strided.gather @p0 [hbm4b:s0+s2], $0x4000, s5, s2, $0x38;
	[tilespmem:$0x18080] =	vst v63  }
0x63: {  	s2 =	simm.s32 @!p0 $0x0;
	s5 =	simm.s32 @!p0 $0x4080  }
0x64: {  	[tilespmem:s5], [sflag:$0x2] =	stream.linear.gather @!p0 [hbm4b:s0+s2], $0x400, $0x38;
	[tilespmem:$0x18080] =	vst v63  }
0x65: {  	s7 =	simm.s32 @!p0 $0x4880;
	s5 =	sadd.s32 @!p0 $0x300, s0  }
0x66: {  	[tilespmem:s7], [sflag:$0x2] =	stream.linear.gather @!p0 [hbm4b:s5+s2], $0x400, $0x38;
	[tilespmem:$0x18080] =	vst v63  }
0x67: {  	s5 =	sadd.s32 @!p0 $0x600, s0;
	s7 =	simm.s32 @!p0 $0x5080  }
0x68: {  	[tilespmem:s7], [sflag:$0x2] =	stream.linear.gather @!p0 [hbm4b:s5+s2], $0x400, $0x38;
	[tilespmem:$0x18080] =	vst v63  }
0x69: {  	s5 =	sadd.s32 @!p0 $0x900, s0;
	s7 =	simm.s32 @!p0 $0x5880  }
0x6a: {  	[tilespmem:s7], [sflag:$0x2] =	stream.linear.gather @!p0 [hbm4b:s5+s2], $0x400, $0x38;
	[tilespmem:$0x18080] =	vst v63  }
0x6b: {  	s5 =	sadd.s32 @!p0 $0xC00, s0;
	s7 =	simm.s32 @!p0 $0x6080  }
0x6c: {  	[tilespmem:s7], [sflag:$0x2] =	stream.linear.gather @!p0 [hbm4b:s5+s2], $0x400, $0x38;
	[tilespmem:$0x18080] =	vst v63  }
0x6d: {  	s5 =	sadd.s32 @!p0 $0xF00, s0;
	s7 =	simm.s32 @!p0 $0x6880  }
0x6e: {  	[tilespmem:s7], [sflag:$0x2] =	stream.linear.gather @!p0 [hbm4b:s5+s2], $0x400, $0x38;
	[tilespmem:$0x18080] =	vst v63  }
0x6f: {  	s5 =	sadd.s32 @!p0 $0x1200, s0;
	s7 =	simm.s32 @!p0 $0x7080  }
0x70: {  	[tilespmem:s7], [sflag:$0x2] =	stream.linear.gather @!p0 [hbm4b:s5+s2], $0x400, $0x38;
	[tilespmem:$0x18080] =	vst v63  }
0x71: {  	s0 =	sadd.s32 @!p0 $0x1500, s0;
	s5 =	simm.s32 @!p0 $0x7880  }
0x72: {  	[tilespmem:s5], [sflag:$0x2] =	stream.linear.gather @!p0 [hbm4b:s0+s2], $0x400, $0x38;
	[tilespmem:$0x18080] =	vst v63  }
0x73: {  	v1 =	vld [tilespmem:s3+$0x0];
	_ =	sdelay $0x4  }
0x74: {  	(v2sf) =	vpush v1, $0x0  }
0x75: {  	(v2sf) =	vpush v1, $0x1;
	_ =	sdelay $0x2  }
0x76: {  	(v2sf) =	vpush v1, $0x2;
	_ =	sdelay $0x2  }
0x77: {  	(v2sf) =	vpush v1, $0x3;
	_ =	sdelay $0x2  }
0x78: {  	(v2sf) =	vpush v1, $0x4;
	_ =	sdelay $0x2  }
0x79: {  	(v2sf) =	vpush v1, $0x5;
	_ =	sdelay $0x1  }
0x7a: {  	s0 =	spop (v2sf)  }
0x7b: {  	s2 =	spop (v2sf)  }
0x7c: {  	(v2sf) =	vpush v1, $0x6;
	p0 =	sgt.f32 s2, s0;
	_ =	sdelay $0x1  }
0x7d: {  	s0 =	smov.u32 @p0 s2;
	s2 =	spop (v2sf)  }
0x7e: {  	(v2sf) =	vpush v1, $0x7;
	p1 =	sgt.f32 s2, s0;
	_ =	sdelay $0x1  }
0x7f: {  	s5 =	spop (v2sf);
	s0 =	smov.u32 @p1 s2  }
0x80: {  	p2 =	sgt.f32 s5, s0;
	_ =	sdelay $0x1  }
0x81: {  	s2 =	spop (v2sf);
	s0 =	smov.u32 @p2 s5  }
0x82: {  	p3 =	sgt.f32 s2, s0;
	_ =	sdelay $0x1  }
0x83: {  	s5 =	spop (v2sf);
	s0 =	smov.u32 @p3 s2  }
0x84: {  	p4 =	sgt.f32 s5, s0;
	_ =	sdelay $0x1  }
0x85: {  	s0 =	smov.u32 @p4 s5;
	s5 =	simm.s32 $0x60  }
0x86: {  	s2 =	spop (v2sf);
	s5 =	simm.s32 @!p0 $0x0  }
0x87: {  	p5 =	sgt.f32 s2, s0;
	s5 =	simm.s32 @p1 $0xC0  }
0x88: {  	s5 =	simm.s32 @p2 $0x120  }
0x89: {  	s28 =	spop (v2sf);
	s0 =	smov.u32 @p5 s2;
	s5 =	simm.s32 @p3 $0x180  }
0x8a: {  	p0 =	sgt.f32 s28, s0;
	s5 =	simm.s32 @p4 $0x1E0  }
0x8b: {  	s5 =	simm.s32 @p5 $0x240  }
0x8c: {  	s5 =	simm.s32 @p0 $0x2A0  }
0x8d: {  	s29 =	sshll.u32 s5, $0x3  }
0x8e: {  	s30 =	rddreg [dreg:$0xd];
	s31 =	sand.u32 $0x7F, s5;
	s0 =	sand.u32 $0x7FFFFC00, s29  }
0x8f: {  	p0 =	sgt.u32 s31, $0x20;
	s0 =	sadd.s32 s0, s30  }
0x90: {  	s2 =	simm.s32 @p0 $0x800;
	s0 =	sshrl.u32 s0, $0x3  }
0x91: {  	s5 =	simm.s32 @p0 $0x1800;
	s7 =	simm.s32 @p0 $0x8080;
	s0 =	sadd.s32 s22, s0  }
0x92: {  	[tilespmem:s7], [sflag:$0x3] =	stream.strided.gather @p0 [hbm4b:s0+s2], $0x4000, s5, s2, $0x38;
	[tilespmem:$0x18080] =	vst v63  }
0x93: {  	s2 =	simm.s32 @!p0 $0x0;
	s5 =	simm.s32 @!p0 $0x8080  }
0x94: {  	[tilespmem:s5], [sflag:$0x3] =	stream.linear.gather @!p0 [hbm4b:s0+s2], $0x400, $0x38;
	[tilespmem:$0x18080] =	vst v63  }
0x95: {  	s7 =	simm.s32 @!p0 $0x8880;
	s5 =	sadd.s32 @!p0 $0x300, s0  }
0x96: {  	[tilespmem:s7], [sflag:$0x3] =	stream.linear.gather @!p0 [hbm4b:s5+s2], $0x400, $0x38;
	[tilespmem:$0x18080] =	vst v63  }
0x97: {  	s5 =	sadd.s32 @!p0 $0x600, s0;
	s7 =	simm.s32 @!p0 $0x9080  }
0x98: {  	[tilespmem:s7], [sflag:$0x3] =	stream.linear.gather @!p0 [hbm4b:s5+s2], $0x400, $0x38;
	[tilespmem:$0x18080] =	vst v63  }
0x99: {  	s5 =	sadd.s32 @!p0 $0x900, s0;
	s7 =	simm.s32 @!p0 $0x9880  }
0x9a: {  	[tilespmem:s7], [sflag:$0x3] =	stream.linear.gather @!p0 [hbm4b:s5+s2], $0x400, $0x38;
	[tilespmem:$0x18080] =	vst v63  }
0x9b: {  	s5 =	sadd.s32 @!p0 $0xC00, s0;
	s7 =	simm.s32 @!p0 $0xA080  }
0x9c: {  	[tilespmem:s7], [sflag:$0x3] =	stream.linear.gather @!p0 [hbm4b:s5+s2], $0x400, $0x38;
	[tilespmem:$0x18080] =	vst v63  }
0x9d: {  	s5 =	sadd.s32 @!p0 $0xF00, s0;
	s7 =	simm.s32 @!p0 $0xA880  }
0x9e: {  	[tilespmem:s7], [sflag:$0x3] =	stream.linear.gather @!p0 [hbm4b:s5+s2], $0x400, $0x38;
	[tilespmem:$0x18080] =	vst v63  }
0x9f: {  	s5 =	sadd.s32 @!p0 $0x1200, s0;
	s7 =	simm.s32 @!p0 $0xB080  }
0xa0: {  	[tilespmem:s7], [sflag:$0x3] =	stream.linear.gather @!p0 [hbm4b:s5+s2], $0x400, $0x38;
	[tilespmem:$0x18080] =	vst v63  }
0xa1: {  	s18 =	simm.s32 $0x0;
	s0 =	sadd.s32 @!p0 $0x1500, s0;
	s5 =	simm.s32 @!p0 $0xB880  }
0xa2: {  	[tilespmem:s5], [sflag:$0x3] =	stream.linear.gather @!p0 [hbm4b:s0+s2], $0x400, $0x38;
	[tilespmem:$0x18080] =	vst v63  }
.LBB2_2:
0xa3: {  	_ =	sdelay $0x1  }
0xa4: {  	s0 =	sshll.u32 s18, $0x2  }
0xa5: {  	s0 =	sand.u32 $0x3FFFFFF0, s0  }
0xa6: {  	v1 =	vld.idx.msk [tilespmem:v0+s0+$0x0 ss:$0x1], $0xffff;
	_ =	sdelay $0x4  }
0xa7: {  	(v2sf) =	vpush v1, $0x0  }
0xa8: {  	(v2sf) =	vpush v1, $0x1;
	_ =	sdelay $0x2  }
0xa9: {  	(v2sf) =	vpush v1, $0x2;
	_ =	sdelay $0x2  }
0xaa: {  	(v2sf) =	vpush v1, $0x3;
	_ =	sdelay $0x2  }
0xab: {  	(v2sf) =	vpush v1, $0x4;
	_ =	sdelay $0x2  }
0xac: {  	(v2sf) =	vpush v1, $0x5;
	_ =	sdelay $0x1  }
0xad: {  	s0 =	spop (v2sf)  }
0xae: {  	(v2sf) =	vpush v1, $0x6;
	s2 =	spop (v2sf)  }
0xaf: {  	p0 =	sgt.f32 s2, s0;
	_ =	sdelay $0x1  }
0xb0: {  	(v2sf) =	vpush v1, $0x7;
	s0 =	smov.u32 @p0 s2;
	s2 =	spop (v2sf)  }
0xb1: {  	p1 =	sgt.f32 s2, s0;
	_ =	sdelay $0x1  }
0xb2: {  	s5 =	spop (v2sf);
	s0 =	smov.u32 @p1 s2  }
0xb3: {  	p2 =	sgt.f32 s5, s0;
	_ =	sdelay $0x1  }
0xb4: {  	s2 =	spop (v2sf);
	s0 =	smov.u32 @p2 s5  }
0xb5: {  	p3 =	sgt.f32 s2, s0;
	_ =	sdelay $0x1  }
0xb6: {  	s5 =	spop (v2sf);
	s0 =	smov.u32 @p3 s2  }
0xb7: {  	p4 =	sgt.f32 s5, s0  }
0xb8: {  	s28 =	simm.s32 $0x60  }
0xb9: {  	s28 =	simm.s32 @!p0 $0x0;
	s2 =	spop (v2sf);
	s0 =	smov.u32 @p4 s5  }
0xba: {  	s28 =	simm.s32 @p1 $0x40;
	p5 =	sgt.f32 s2, s0  }
0xbb: {  	s28 =	simm.s32 @p2 $0x20  }
0xbc: {  	s28 =	simm.s32 @p3 $0x0;
	s31 =	spop (v2sf);
	s0 =	smov.u32 @p5 s2  }
0xbd: {  	s28 =	simm.s32 @p4 $0x60;
	p0 =	sgt.f32 s31, s0  }
0xbe: {  	s28 =	simm.s32 @p5 $0x40  }
0xbf: {  	s19 =	sand.u32 $0x3, s18;
	s28 =	simm.s32 @p0 $0x20  }
0xc0: {  	s0 =	sadd.s32 $0x1, s19;
	p0 =	sgt.u32 s28, $0x20  }
0xc1: {  	p1 =	sgt.u32 s18, $0xC;
	_ =	swait.ge @p0 [sflag:s0], $0x4000  }
.Ltmp0:
0xc2: {  	[sflag:s0] =	ssyncset.done @p0 $0x0;
	(pc) =	sbr.rel @p1 .LBB2_4-.Ltmp0, $4  }
0xc3: {  	[sflag:s0] =	ssyncadd.s32 @p0 $0xFFFFC000  }
0xc4: {  	_ =	swait.ge @!p0 [sflag:s0], $0x2000  }
0xc5: {  	[sflag:s0] =	ssyncset.done @!p0 $0x0  }
0xc6: {  	[sflag:s0] =	ssyncadd.s32 @!p0 $0xFFFFE000  }
0xc7: {  	s2 =	sadd.s32 $0x3, s18;
	p0 =	seq.s32 s18, $0x0  }
0xc8: {  	s0 =	sand.u32 @!p0 $0x3, s2  }
0xc9: {  	s5 =	sadd.s32 @!p0 $0x5, s0  }
0xca: {  	_ =	swait.ge @!p0 [sflag:s5], $0x2000  }
0xcb: {  	s7 =	sshll.u32 s2, $0x2;
	[sflag:s5] =	ssyncset.done @!p0 $0x0  }
0xcc: {  	s29 =	sand.u32 $0x3FFFFFF0, s7;
	[sflag:s5] =	ssyncadd.s32 @!p0 $0xFFFFE000  }
0xcd: {  	v1 =	vld.idx.msk [tilespmem:v0+s29+$0x0 ss:$0x1], $0xffff;
	_ =	sdelay $0x4  }
0xce: {  	(v2sf) =	vpush v1, $0x0  }
0xcf: {  	(v2sf) =	vpush v1, $0x1;
	_ =	sdelay $0x2  }
0xd0: {  	(v2sf) =	vpush v1, $0x2;
	_ =	sdelay $0x2  }
0xd1: {  	(v2sf) =	vpush v1, $0x3;
	_ =	sdelay $0x2  }
0xd2: {  	(v2sf) =	vpush v1, $0x4;
	_ =	sdelay $0x2  }
0xd3: {  	(v2sf) =	vpush v1, $0x5;
	_ =	sdelay $0x1  }
0xd4: {  	s5 =	spop (v2sf)  }
0xd5: {  	s7 =	spop (v2sf)  }
0xd6: {  	(v2sf) =	vpush v1, $0x6;
	p1 =	sgt.f32 s7, s5;
	_ =	sdelay $0x1  }
0xd7: {  	s5 =	smov.u32 @p1 s7;
	s7 =	spop (v2sf)  }
0xd8: {  	(v2sf) =	vpush v1, $0x7;
	p2 =	sgt.f32 s7, s5;
	_ =	sdelay $0x1  }
0xd9: {  	s9 =	spop (v2sf);
	s5 =	smov.u32 @p2 s7  }
0xda: {  	p3 =	sgt.f32 s9, s5;
	_ =	sdelay $0x1  }
0xdb: {  	s7 =	spop (v2sf);
	s5 =	smov.u32 @p3 s9  }
0xdc: {  	p4 =	sgt.f32 s7, s5;
	_ =	sdelay $0x1  }
0xdd: {  	s9 =	spop (v2sf);
	s5 =	smov.u32 @p4 s7  }
0xde: {  	p5 =	sgt.f32 s9, s5;
	_ =	sdelay $0x1  }
0xdf: {  	s5 =	smov.u32 @p5 s9;
	s9 =	simm.s32 $0x60  }
0xe0: {  	s7 =	spop (v2sf);
	s9 =	simm.s32 @!p1 $0x0  }
0xe1: {  	p6 =	sgt.f32 s7, s5;
	s9 =	simm.s32 @p2 $0xC0  }
0xe2: {  	s9 =	simm.s32 @p3 $0x120  }
0xe3: {  	s30 =	spop (v2sf);
	s5 =	smov.u32 @p6 s7;
	s9 =	simm.s32 @p4 $0x180  }
0xe4: {  	p1 =	sgt.f32 s30, s5;
	s9 =	simm.s32 @p5 $0x1E0  }
0xe5: {  	s9 =	simm.s32 @p6 $0x240  }
0xe6: {  	s9 =	simm.s32 @p1 $0x2A0  }
0xe7: {  	s2 =	sshrl.u32 s2, $0x2;
	s1 =	rddreg [dreg:$0x9];
	s31 =	sand.u32 $0x7F, s9  }
0xe8: {  	s2 =	sadd.s32 s1, s2;
	p1 =	sgt.u32 s31, $0x20  }
0xe9: {  	s0 =	simm.s32 @p0 $0x3;
	s5 =	smul.u32 @p1 $0x30000, s2  }
0xea: {  	s7 =	smul.u32 @p1 $0xC000, s0  }
0xeb: {  	s10 =	sshll.u32 @p1 s9, $0x3  }
0xec: {  	s1 =	rddreg [dreg:$0x0];
	s5 =	sadd.s32 @p1 s7, s5;
	s7 =	sand.u32 @p1 $0x7FFFFC00, s10  }
0xed: {  	s11 =	simm.s32 @p1 $0x800;
	s12 =	simm.s32 @p1 $0x1800;
	s5 =	sadd.s32 @p1 s7, s5  }
0xee: {  	s2 =	smul.u32 @!p1 $0x30000, s2;
	s7 =	sshll.u32 @p1 s0, $0xE;
	s5 =	sshrl.u32 @p1 s5, $0x3  }
0xef: {  	s10 =	sadd.s32 @p1 $0x1, s0;
	s7 =	sor.u32 @p1 $0x80, s7;
	s5 =	sadd.s32 @p1 s1, s5  }
0xf0: {  	[tilespmem:s7], [sflag:s10] =	stream.strided.gather @p1 [hbm4b:s5+s11], $0x4000, s12, s11, $0x38;
	[tilespmem:$0x18080] =	vst v63  }
0xf1: {  	s5 =	smul.u32 @!p1 $0xC000, s0  }
0xf2: {  	s7 =	sshll.u32 @!p1 s9, $0x3  }
0xf3: {  	s2 =	sadd.s32 @!p1 s5, s2;
	s5 =	sand.u32 @!p1 $0x7FFFFC00, s7  }
0xf4: {  	s2 =	sadd.s32 @!p1 s5, s2  }
0xf5: {  	s5 =	sadd.s32 @!p1 $0x1, s0;
	s0 =	sshll.u32 @!p1 s0, $0xE;
	s2 =	sshrl.u32 @!p1 s2, $0x3  }
0xf6: {  	s9 =	simm.s32 @!p1 $0x0;
	s7 =	sor.u32 @!p1 $0x80, s0;
	s2 =	sadd.s32 @!p1 s1, s2  }
0xf7: {  	[tilespmem:s7], [sflag:s5] =	stream.linear.gather @!p1 [hbm4b:s2+s9], $0x400, $0x38;
	[tilespmem:$0x18080] =	vst v63  }
0xf8: {  	s10 =	sor.u32 @!p1 $0x880, s0;
	s7 =	sadd.s32 @!p1 $0x300, s2  }
0xf9: {  	[tilespmem:s10], [sflag:s5] =	stream.linear.gather @!p1 [hbm4b:s7+s9], $0x400, $0x38;
	[tilespmem:$0x18080] =	vst v63  }
0xfa: {  	s7 =	sadd.s32 @!p1 $0x600, s2;
	s10 =	sor.u32 @!p1 $0x1080, s0  }
0xfb: {  	[tilespmem:s10], [sflag:s5] =	stream.linear.gather @!p1 [hbm4b:s7+s9], $0x400, $0x38;
	[tilespmem:$0x18080] =	vst v63  }
0xfc: {  	s7 =	sadd.s32 @!p1 $0x900, s2;
	s10 =	sor.u32 @!p1 $0x1880, s0  }
0xfd: {  	[tilespmem:s10], [sflag:s5] =	stream.linear.gather @!p1 [hbm4b:s7+s9], $0x400, $0x38;
	[tilespmem:$0x18080] =	vst v63  }
0xfe: {  	s7 =	sadd.s32 @!p1 $0xC00, s2;
	s10 =	sor.u32 @!p1 $0x2080, s0  }
0xff: {  	[tilespmem:s10], [sflag:s5] =	stream.linear.gather @!p1 [hbm4b:s7+s9], $0x400, $0x38;
	[tilespmem:$0x18080] =	vst v63  }
0x100: {  	s7 =	sadd.s32 @!p1 $0xF00, s2;
	s10 =	sor.u32 @!p1 $0x2880, s0  }
0x101: {  	[tilespmem:s10], [sflag:s5] =	stream.linear.gather @!p1 [hbm4b:s7+s9], $0x400, $0x38;
	[tilespmem:$0x18080] =	vst v63  }
0x102: {  	s7 =	sadd.s32 @!p1 $0x1200, s2;
	s10 =	sor.u32 @!p1 $0x3080, s0  }
0x103: {  	[tilespmem:s10], [sflag:s5] =	stream.linear.gather @!p1 [hbm4b:s7+s9], $0x400, $0x38;
	[tilespmem:$0x18080] =	vst v63  }
0x104: {  	s2 =	sadd.s32 @!p1 $0x1500, s2;
	s0 =	sor.u32 @!p1 $0x3880, s0  }
0x105: {  	[tilespmem:s0], [sflag:s5] =	stream.linear.gather @!p1 [hbm4b:s2+s9], $0x400, $0x38;
	[tilespmem:$0x18080] =	vst v63  }
.LBB2_4:
0x106: {  	s0 =	sshll.u32 s19, $0xE;
	s2 =	sadd.s32 $0x20, s28;
	s9 =	sadd.s32 $0x30, s28  }
0x107: {  	s3 =	simm.s32 $0x0;
	s7 =	simm.s32 $0x0;
	s4 =	sadd.s32 $0x10, s28  }
0x108: {  	s0 =	sor.u32 $0x80, s0;
	s5 =	sshll.u32 s2, $0x3;
	s10 =	sshll.u32 s9, $0x3  }
0x109: {  	v1 =	vmov s28;
	s11 =	sand.u32 $0x700, s3;
	s7 =	sand.u32 $0x3FFFF000, s7;
	[dreg:$0x4] =	wrdreg s0  }
0x10a: {  	s12 =	sand.u32 $0x800, s3;
	s26 =	sand.u32 $0x7FFFFC00, s5;
	s1 =	rddreg [dreg:$0x4]  }
0x10b: {  	s13 =	sor.u32 $0x80, s11;
	s14 =	sand.u32 $0x7FFFFC00, s10;
	s0 =	sadd.s32 s7, s1  }
0x10c: {  	[dreg:$0x5] =	wrdreg s26;
	s7 =	sand.u32 $0x380, s13;
	s10 =	sadd.s32 s12, s0  }
0x10d: {  	s5 =	sand.u32 $0x300, s3;
	[dreg:$0x6] =	wrdreg s14;
	s0 =	sadd.s32 s7, s10  }
0x10e: {  	s12 =	sand.u32 $0x70, s4;
	s6 =	sadd.s32 s5, s10;
	v3 =	vld.idx.msk [tilespmem:v1+s0+$0x0 ss:$0x1], $0xffff  }
0x10f: {  	s15 =	sshll.u32 s19, $0xD;
	s21 =	simm.s32 $0x0;
	v2 =	vmov s12;
	v4 =	vld.idx.msk [tilespmem:v1+s6+$0x0 ss:$0x1], $0xffff  }
0x110: {  	s20 =	sor.u32 $0x10080, s15;
	s8 =	sand.u32 $0x3FFFF800, s21  }
0x111: {  	s12 =	sadd.s32 s8, s20  }
0x112: {  	s22 =	sadd.s32 s13, s12  }
0x113: {  	s21 =	sadd.s32 s11, s12;
	[tilespmem:s22+$0x0] =	vst v3  }
0x114: {  	s2 =	sand.u32 $0x70, s2;
	[tilespmem:s21+$0x0] =	vst v4;
	v4 =	vld.idx.msk [tilespmem:v2+s0+$0x0 ss:$0x1], $0xffff  }
0x115: {  	s17 =	simm.s32 $0x100;
	s24 =	simm.s32 $0x200;
	v3 =	vmov s2  }
0x116: {  	s25 =	simm.s32 $0x200;
	s16 =	rddreg [dreg:$0x4];
	s26 =	sand.u32 $0x700, s17;
	v5 =	vld.idx.msk [tilespmem:v2+s6+$0x0 ss:$0x1], $0xffff  }
0x117: {  	s3 =	sor.u32 $0x80, s26;
	s13 =	sand.u32 $0x3FFFF000, s25;
	s15 =	rddreg [dreg:$0x5]  }
0x118: {  	s12 =	sand.u32 $0x800, s24;
	s2 =	sadd.s32 s13, s16;
	s0 =	sadd.s32 s15, s10  }
0x119: {  	s29 =	sand.u32 $0x380, s3;
	s23 =	sadd.s32 s12, s2;
	s4 =	sadd.s32 s7, s0;
	[tilespmem:s22+$0x10] =	vst v4  }
0x11a: {  	s25 =	sand.u32 $0x300, s17;
	s6 =	sand.u32 $0x70, s9;
	s11 =	sadd.s32 s29, s23;
	v6 =	vld.idx.msk [tilespmem:v3+s4+$0x0 ss:$0x1], $0xffff  }
0x11b: {  	s8 =	sadd.s32 s25, s23;
	[tilespmem:s21+$0x10] =	vst v5;
	v5 =	vld.idx.msk [tilespmem:v1+s11+$0x0 ss:$0x1], $0xffff;
	v4 =	vmov s6  }
0x11c: {  	s17 =	sadd.s32 $0x40, s28;
	s16 =	simm.s32 $0x100;
	v7 =	vld.idx.msk [tilespmem:v1+s8+$0x0 ss:$0x1], $0xffff  }
0x11d: {  	s1 =	sshll.u32 s17, $0x3;
	s12 =	sand.u32 $0x3FFFF800, s16;
	s13 =	rddreg [dreg:$0x6]  }
0x11e: {  	s12 =	sadd.s32 s12, s20;
	s0 =	sadd.s32 s5, s0;
	s2 =	sadd.s32 s13, s10  }
0x11f: {  	s30 =	sand.u32 $0x7FFFFC00, s1;
	s24 =	sadd.s32 s3, s12;
	s3 =	sadd.s32 s7, s2;
	[tilespmem:s22+$0x20] =	vst v6;
	v6 =	vld.idx.msk [tilespmem:v3+s0+$0x0 ss:$0x1], $0xffff  }
0x120: {  	s9 =	simm.s32 $0x400;
	s26 =	sadd.s32 s26, s12;
	s4 =	sand.u32 $0x70, s17;
	[tilespmem:s24+$0x0] =	vst v5;
	v8 =	vld.idx.msk [tilespmem:v4+s3+$0x0 ss:$0x1], $0xffff  }
0x121: {  	s15 =	rddreg [dreg:$0x4];
	s1 =	sand.u32 $0x800, s9;
	s12 =	simm.s32 $0x200;
	[tilespmem:s26+$0x0] =	vst v7;
	v5 =	vmov s4;
	v7 =	vld.idx.msk [tilespmem:v2+s11+$0x0 ss:$0x1], $0xffff  }
0x122: {  	s16 =	sand.u32 $0x700, s12;
	s13 =	sadd.s32 $0x50, s28;
	s28 =	simm.s32 $0x400;
	v9 =	vld.idx.msk [tilespmem:v2+s8+$0x0 ss:$0x1], $0xffff  }
0x123: {  	s17 =	sadd.s32 s30, s10;
	s2 =	sadd.s32 s5, s2;
	s28 =	sand.u32 $0x3FFFF000, s28  }
0x124: {  	s8 =	sor.u32 $0x80, s16;
	s4 =	sadd.s32 s7, s17;
	s6 =	rddreg [dreg:$0x5];
	[tilespmem:s21+$0x20] =	vst v6  }
0x125: {  	s0 =	sand.u32 $0x70, s13;
	s3 =	sadd.s32 s28, s15;
	s11 =	sadd.s32 s6, s23;
	v10 =	vld.idx.msk [tilespmem:v4+s2+$0x0 ss:$0x1], $0xffff;
	[tilespmem:s22+$0x30] =	vst v8  }
0x126: {  	s28 =	sand.u32 $0x380, s8;
	s6 =	sadd.s32 s29, s11;
	[tilespmem:s24+$0x10] =	vst v7;
	s2 =	sadd.s32 s1, s3;
	v7 =	vld.idx.msk [tilespmem:v5+s4+$0x0 ss:$0x1], $0xffff  }
0x127: {  	s31 =	sand.u32 $0x300, s12;
	[tilespmem:s26+$0x10] =	vst v9;
	v6 =	vmov s0;
	v9 =	vld.idx.msk [tilespmem:v3+s6+$0x0 ss:$0x1], $0xffff;
	s12 =	sadd.s32 s28, s2  }
0x128: {  	s14 =	sshll.u32 s13, $0x3;
	s11 =	sadd.s32 s25, s11;
	s15 =	sadd.s32 s31, s2;
	v11 =	vld.idx.msk [tilespmem:v1+s12+$0x0 ss:$0x1], $0xffff  }
0x129: {  	s0 =	sand.u32 $0x7FFFFC00, s14;
	s13 =	rddreg [dreg:$0x6];
	s1 =	simm.s32 $0x200;
	v12 =	vld.idx.msk [tilespmem:v1+s15+$0x0 ss:$0x1], $0xffff  }
0x12a: {  	v13 =	vld.idx.msk [tilespmem:v3+s11+$0x0 ss:$0x1], $0xffff;
	s3 =	sadd.s32 s5, s17;
	s14 =	sand.u32 $0x3FFFF800, s1;
	s4 =	sadd.s32 s0, s10;
	[tilespmem:s21+$0x30] =	vst v10  }
0x12b: {  	s13 =	sadd.s32 s13, s23;
	s6 =	sadd.s32 s14, s20;
	s7 =	sadd.s32 s7, s4;
	v8 =	vld.idx.msk [tilespmem:v5+s3+$0x0 ss:$0x1], $0xffff;
	[tilespmem:s22+$0x40] =	vst v7  }
0x12c: {  	s14 =	sadd.s32 s29, s13;
	s10 =	sadd.s32 s8, s6;
	[tilespmem:s24+$0x20] =	vst v9;
	v7 =	vld.idx.msk [tilespmem:v6+s7+$0x0 ss:$0x1], $0xffff  }
0x12d: {  	s11 =	sadd.s32 s16, s6;
	s16 =	sshrl.u32 s18, $0x2;
	v9 =	vld.idx.msk [tilespmem:v4+s14+$0x0 ss:$0x1], $0xffff;
	s14 =	sadd.s32 s25, s13;
	[tilespmem:s10+$0x0] =	vst v11  }
0x12e: {  	s13 =	sadd.s32 s5, s4;
	s5 =	simm.s32 $0x300;
	s1 =	rddreg [dreg:$0x9];
	v10 =	vld.idx.msk [tilespmem:v2+s12+$0x0 ss:$0x1], $0xffff;
	[tilespmem:s11+$0x0] =	vst v12  }
0x12f: {  	s12 =	simm.s32 $0x4;
	[tilespmem:s26+$0x20] =	vst v13;
	s7 =	sadd.s32 s1, s16;
	v11 =	vld.idx.msk [tilespmem:v2+s15+$0x0 ss:$0x1], $0xffff;
	s15 =	rddreg [dreg:$0x5]  }
.LBB2_5:
0x130: {  	s12 =	sadd.s32 $0x2, s12;
	s8 =	rddreg [dreg:$0x4];
	s9 =	sadd.s32 $0x200, s9;
	v12 =	vld.idx.msk [tilespmem:v4+s14+$0x0 ss:$0x1], $0xffff;
	[tilespmem:s21+$0x40] =	vst v8  }
0x131: {  	s17 =	sand.u32 $0x700, s5;
	s3 =	sadd.s32 s30, s23;
	s16 =	sshll.u32 s12, $0x8;
	[tilespmem:s22+$0x50] =	vst v7  }
0x132: {  	s1 =	sand.u32 $0x800, s9;
	s4 =	sadd.s32 s29, s3;
	v8 =	vld.idx.msk [tilespmem:v6+s13+$0x0 ss:$0x1], $0xffff;
	s6 =	sand.u32 $0x3FFFF000, s16;
	[tilespmem:s24+$0x30] =	vst v9  }
0x133: {  	s16 =	sor.u32 $0x80, s17;
	s8 =	sadd.s32 s6, s8;
	s22 =	sadd.s32 s15, s2;
	[tilespmem:s10+$0x10] =	vst v10  }
0x134: {  	s8 =	sadd.s32 s1, s8;
	s1 =	sand.u32 $0x380, s16;
	s6 =	sadd.s32 s28, s22;
	v7 =	vld.idx.msk [tilespmem:v5+s4+$0x0 ss:$0x1], $0xffff  }
0x135: {  	s14 =	rddreg [dreg:$0x6];
	[tilespmem:s11+$0x10] =	vst v11;
	s15 =	sadd.s32 s1, s8;
	s4 =	sand.u32 $0x300, s5;
	v9 =	vld.idx.msk [tilespmem:v3+s6+$0x0 ss:$0x1], $0xffff  }
0x136: {  	p0 =	slt.u32 s12, $0x3E;
	s3 =	sadd.s32 s25, s3;
	[tilespmem:s26+$0x30] =	vst v12;
	v10 =	vld.idx.msk [tilespmem:v1+s15+$0x0 ss:$0x1], $0xffff;
	s6 =	sadd.s32 s4, s8  }
0x137: {  	s13 =	sadd.s32 s31, s22;
	s22 =	smov.u32 s24;
	s24 =	smov.u32 s10;
	v11 =	vld.idx.msk [tilespmem:v1+s6+$0x0 ss:$0x1], $0xffff;
	[tilespmem:s21+$0x50] =	vst v8  }
0x138: {  	s21 =	smov.u32 s26;
	s26 =	smov.u32 s11;
	s11 =	sshll.u32 s12, $0x7;
	v12 =	vld.idx.msk [tilespmem:v3+s13+$0x0 ss:$0x1], $0xffff  }
0x139: {  	s13 =	sand.u32 $0x3FFFF800, s11;
	v8 =	vld.idx.msk [tilespmem:v5+s3+$0x0 ss:$0x1], $0xffff;
	s3 =	sadd.s32 s0, s23;
	s23 =	smov.u32 s2  }
0x13a: {  	s10 =	sadd.s32 s13, s20;
	s13 =	sadd.s32 s14, s23;
	s14 =	sadd.s32 s29, s3;
	[tilespmem:s22+$0x40] =	vst v7  }
.Ltmp1:
0x13b: {  	s11 =	sadd.s32 s17, s10;
	s10 =	sadd.s32 s16, s10;
	[tilespmem:s24+$0x20] =	vst v9;
	(pc) =	sbr.rel @p0 .LBB2_5-.Ltmp1, $4  }
0x13c: {  	s17 =	sadd.s32 s28, s13;
	v7 =	vld.idx.msk [tilespmem:v6+s14+$0x0 ss:$0x1], $0xffff;
	[tilespmem:s10+$0x0] =	vst v10  }
0x13d: {  	s5 =	sadd.s32 $0x100, s5;
	s2 =	smov.u32 s8;
	s29 =	smov.u32 s28;
	v9 =	vld.idx.msk [tilespmem:v4+s17+$0x0 ss:$0x1], $0xffff  }
0x13e: {  	s28 =	smov.u32 s1;
	s14 =	sadd.s32 s31, s13;
	s13 =	sadd.s32 s25, s3;
	[tilespmem:s11+$0x0] =	vst v11;
	v10 =	vld.idx.msk [tilespmem:v2+s15+$0x0 ss:$0x1], $0xffff  }
0x13f: {  	s25 =	smov.u32 s31;
	s31 =	smov.u32 s4;
	v11 =	vld.idx.msk [tilespmem:v2+s6+$0x0 ss:$0x1], $0xffff;
	s15 =	rddreg [dreg:$0x5];
	[tilespmem:s26+$0x20] =	vst v12  }
0x140: {  	_ =	sdelay $0x1  }
0x141: {  	s1 =	sadd.s32 s15, s2  }
0x142: {  	s3 =	sadd.s32 s28, s1;
	[tilespmem:s10+$0x10] =	vst v10  }
0x143: {  	v1 =	vld.idx.msk [tilespmem:v3+s3+$0x0 ss:$0x1], $0xffff;
	_ =	sdelay $0x1  }
0x144: {  	s1 =	sadd.s32 s31, s1;
	[tilespmem:s11+$0x10] =	vst v11  }
0x145: {  	v2 =	vld.idx.msk [tilespmem:v3+s1+$0x0 ss:$0x1], $0xffff;
	s5 =	rddreg [dreg:$0x6]  }
0x146: {  	s1 =	sadd.s32 s5, s2  }
0x147: {  	v3 =	vld.idx.msk [tilespmem:v4+s14+$0x0 ss:$0x1], $0xffff;
	s6 =	sadd.s32 s28, s1;
	[tilespmem:s10+$0x20] =	vst v1  }
0x148: {  	v1 =	vld.idx.msk [tilespmem:v4+s6+$0x0 ss:$0x1], $0xffff;
	_ =	sdelay $0x1  }
0x149: {  	s8 =	sadd.s32 s30, s23;
	s1 =	sadd.s32 s31, s1;
	[tilespmem:s11+$0x20] =	vst v2  }
0x14a: {  	s9 =	sadd.s32 s29, s8;
	[tilespmem:s24+$0x30] =	vst v9;
	v2 =	vld.idx.msk [tilespmem:v4+s1+$0x0 ss:$0x1], $0xffff  }
0x14b: {  	s12 =	sadd.s32 s30, s2;
	v62 =	vld.idx.msk [tilespmem:v5+s9+$0x0 ss:$0x1], $0xffff;
	[tilespmem:s26+$0x30] =	vst v3;
	s1 =	sadd.s32 s25, s8  }
0x14c: {  	s14 =	sadd.s32 s28, s12;
	v3 =	vld.idx.msk [tilespmem:v5+s1+$0x0 ss:$0x1], $0xffff;
	[tilespmem:s10+$0x30] =	vst v1  }
0x14d: {  	v1 =	vld.idx.msk [tilespmem:v5+s14+$0x0 ss:$0x1], $0xffff  }
0x14e: {  	[tilespmem:s21+$0x40] =	vst v8  }
0x14f: {  	s16 =	sadd.s32 s0, s23;
	s15 =	sadd.s32 s31, s12;
	v63 =	vld.idx.msk [tilespmem:v6+s13+$0x0 ss:$0x1], $0xffff;
	[tilespmem:s11+$0x30] =	vst v2  }
0x150: {  	s17 =	sadd.s32 s29, s16;
	[tilespmem:s24+$0x40] =	vst v62;
	v2 =	vld.idx.msk [tilespmem:v5+s15+$0x0 ss:$0x1], $0xffff  }
0x151: {  	s23 =	sadd.s32 s0, s2;
	v4 =	vld.idx.msk [tilespmem:v6+s17+$0x0 ss:$0x1], $0xffff;
	s1 =	sadd.s32 s25, s16;
	[tilespmem:s26+$0x40] =	vst v3  }
0x152: {  	s25 =	sadd.s32 s28, s23;
	v3 =	vld.idx.msk [tilespmem:v6+s1+$0x0 ss:$0x1], $0xffff;
	[tilespmem:s10+$0x40] =	vst v1  }
0x153: {  	[tilespmem:s22+$0x50] =	vst v7;
	v1 =	vld.idx.msk [tilespmem:v6+s25+$0x0 ss:$0x1], $0xffff  }
0x154: {  	[tilespmem:s21+$0x50] =	vst v63  }
0x155: {  	s0 =	sadd.s32 s31, s23;
	[tilespmem:s11+$0x40] =	vst v2  }
0x156: {  	s18 =	sadd.s32 $0x1, s18;
	[tilespmem:s24+$0x50] =	vst v4;
	v2 =	vld.idx.msk [tilespmem:v6+s0+$0x0 ss:$0x1], $0xffff  }
0x157: {  	p0 =	sne.s32 s18, $0x10;
	[tilespmem:s26+$0x50] =	vst v3  }
.Ltmp2:
0x158: {  	[tilespmem:s10+$0x50] =	vst v1;
	(pc) =	sbr.rel @p0 .LBB2_2-.Ltmp2, $4  }
0x159: {  	s26 =	sshll.u32 s19, $0xA;
	s29 =	rddreg [dreg:$0x7]  }
0x15a: {  	s28 =	sshll.u32 s7, $0xC;
	s0 =	sadd.s32 s29, s26  }
0x15b: {  	s30 =	sadd.s32 $0x5, s19;
	s31 =	simm.s32 $0x0;
	[tilespmem:s11+$0x50] =	vst v2;
	s0 =	sadd.s32 s28, s0  }
0x15c: {  	[hbm4b:s0+s31] =	stream.linear.scatter [tilespmem:s20], [sflag:s30], $0x2000, $0x38;
	[tilespmem:$0x18080] =	vst v63  }
0x15d: {  	s0 =	simm.s32 $0x5  }
0x15e: {  	_ =	swait.ge [sflag:s0], $0x2000  }
0x15f: {  	[sflag:s0] =	ssyncset.done $0x0  }
0x160: {  	s29 =	simm.s32 $0x6;
	[sflag:s0] =	ssyncadd.s32 $0xFFFFE000  }
0x161: {  	_ =	swait.ge [sflag:s29], $0x2000  }
0x162: {  	[sflag:s29] =	ssyncset.done $0x0  }
0x163: {  	s30 =	simm.s32 $0x7;
	[sflag:s29] =	ssyncadd.s32 $0xFFFFE000  }
0x164: {  	_ =	swait.ge [sflag:s30], $0x2000  }
0x165: {  	[sflag:s30] =	ssyncset.done $0x0  }
0x166: {  	s1 =	simm.s32 $0x8;
	[sflag:s30] =	ssyncadd.s32 $0xFFFFE000  }
0x167: {  	_ =	swait.ge [sflag:s1], $0x2000  }
0x168: {  	s2 =	rddreg [dreg:$0xf]  }
0x169: {  	s31 =	rddreg [dreg:$0xe];
	s2 =	sadd.s32 $0x1, s2  }
0x16a: {  	p0 =	sne.s32 s2, s31  }
.Ltmp3:
0x16b: {  	_ = 	snop;
	(pc) =	sbr.rel @p0 .LBB2_1-.Ltmp3, $3  }
0x16c: {  	_ =	sdelay $0x1  }
0x16d: {  	[sflag:s1] =	ssyncset.done $0x0  }
0x16e: {  	[sflag:s1] =	ssyncadd.s32 $0xFFFFE000  }
0x16f: {  	_ =	sfence.sel $0x180000  }
0x170: {  	[bflag:$0x0] =	sbarrier.arrive $0xFFFF  }
0x171: {  	_ =	strace $0x90000047  }
0x172: {  	s0 =	stileid.u32;
	[bflag:$0x2] =	sbarrier.arrive $0xFFFF  }
0x173: {  	p0 =	sne.s32 s0, $0x0;
	s0 =	rddreg [dreg:$0x3]  }
0x174: {  	s0 =	sadd.s32 @!p0 $0x100000, s0  }
0x175: {  	[sflag:s0] =	ssyncadd.tile.s32 @!p0 $0x1;
	_ =	shalt  }
.Lfunc_end2:
_tile_overlayer_lowered:
.L_overlay_start_2:
0x176: {  	(tag) =	ssettag $0x2  }
0x177: {  	s0 =	rddreg [dreg:$0x0];
	s2 =	stileid.u32  }
0x178: {  	s1 =	rddreg [dreg:$0x1];
	p0 =	sne.s32 s2, $0x0  }
0x179: {  	s3 =	rddreg [dreg:$0x2];
	[bflag:$0x3] =	sbarrier.arrive $0xFFFF;
	s2 =	simm.s32 @!p0 $0x1C09  }
0x17a: {  	[timem:s3], [sflag:s2] =	dma.local @!p0 [hbm:s0], s1  }
0x17b: {  	s0 =	simm.s32 @!p0 $0x9  }
0x17c: {  	_ =	swait.ge @!p0 [sflag:s0], s1  }
0x17d: {  	s1 =	ssub.s32 @!p0 $0x0, s1;
	[sflag:s0] =	ssyncset.done @!p0 $0x0  }
0x17e: {  	[sflag:s0] =	ssyncadd.s32 @!p0 s1  }
0x17f: {  	[bflag:$0x3] =	sbarrier.arrive $0xFFFF  }
0x180: {  	_ =	shalt  }

</sc_bundles>
